<compile_context>
chip_gen: v7x
topology: tpu7x:2x2x1
jax: 0.10.2.dev20260603
libtpu: 0.0.44.dev20260713+nightly
codegen_flags: <defaults>
</compile_context>

<pallas_src>
import functools

import jax
import jax.numpy as jnp
from jax import lax
from jax.experimental import pallas as pl
from jax.experimental.pallas import tpu as pltpu
from jax.experimental.pallas import tpu_sc as plsc

N_NODES = 10000
N_EDGES = 320000
D = 128
ED = 16

NC = 2
NS = 16

NPAD = 10240
NHALF = NPAD // NC
NACC = 6144
DUMP = 6000
EPAD = 327680
EW = EPAD // NS
SUB = 32
STEPS = EW // SUB
RT = NACC // NS

_HIGH = jax.lax.Precision.HIGHEST


def _node_pre_body(x_ref, cong_ref, w1s_ref, w1d_ref, w1c_ref, a_ref, b_ref):
    xb = x_ref[...]
    a_ref[...] = (
        jnp.dot(xb, w1s_ref[...], precision=_HIGH, preferred_element_type=jnp.float32)
        + cong_ref[...] * w1c_ref[...]
    )
    b_ref[...] = jnp.dot(
        xb, w1d_ref[...], precision=_HIGH, preferred_element_type=jnp.float32
    )


def _edge_pre_body(attr_ref, w1e_ref, b1_ref, e_ref):
    e_ref[...] = (
        jnp.dot(attr_ref[...], w1e_ref[...], precision=_HIGH,
                preferred_element_type=jnp.float32)
        + b1_ref[...]
    )


def _post_body(s_ref, d_ref, x_ref, w2_ref, b2_ref, u1a_ref, u1b_ref,
               ub1_ref, u2_ref, ub2_ref, o_ref):
    deg = d_ref[...][:, 0:1]
    agg = (
        jnp.dot(s_ref[...], w2_ref[...], precision=_HIGH,
                preferred_element_type=jnp.float32)
        + deg * b2_ref[...]
    )
    h2 = jax.nn.relu(
        jnp.dot(x_ref[...], u1a_ref[...], precision=_HIGH,
                preferred_element_type=jnp.float32)
        + jnp.dot(agg, u1b_ref[...], precision=_HIGH,
                  preferred_element_type=jnp.float32)
        + ub1_ref[...]
    )
    o_ref[...] = (
        jnp.dot(h2, u2_ref[...], precision=_HIGH, preferred_element_type=jnp.float32)
        + ub2_ref[...]
    )


def _sc_edge_body(a_hbm, b_hbm, e_hbm, src_hbm, dst_hbm, ldst_hbm,
                  s_out, d_out,
                  sidx_v, didx_v, lidx_v, a_v, b_v, e_v, ones_v,
                  s_sp, d_sp, sem):
    s = lax.axis_index("s")
    c = lax.axis_index("c")

    zero16 = jnp.zeros((16,), jnp.float32)
    one16 = jnp.ones((16,), jnp.float32)

    def _zrow(r, carry):
        for t in range(D // 16):
            a_v[r, pl.ds(t * 16, 16)] = zero16
        ones_v[r, :] = zero16
        return carry

    lax.fori_loop(0, SUB, _zrow, 0)
    for q in range(RT // SUB):
        off = s * RT + q * SUB
        pltpu.sync_copy(a_v, s_sp.at[pl.ds(off, SUB)])
        pltpu.sync_copy(ones_v, d_sp.at[pl.ds(off, SUB)])

    def _orow(r, carry):
        ones_v[r, :] = one16
        return carry

    lax.fori_loop(0, SUB, _orow, 0)
    plsc.subcore_barrier()

    base = s * EW

    def _outer(n, carry):
        off = base + n * SUB
        pltpu.sync_copy(src_hbm.at[pl.ds(off, SUB)], sidx_v)
        pltpu.sync_copy(dst_hbm.at[pl.ds(off, SUB)], didx_v)
        pltpu.sync_copy(ldst_hbm.at[pl.ds(c * EPAD + off, SUB)], lidx_v)
        pltpu.async_copy(a_hbm.at[sidx_v], a_v, sem).wait()
        pltpu.async_copy(b_hbm.at[didx_v], b_v, sem).wait()
        pltpu.sync_copy(e_hbm.at[pl.ds(off, SUB)], e_v)

        def _crow(r, cc):
            for t in range(D // 16):
                sl = pl.ds(t * 16, 16)
                e_v[r, sl] = jnp.maximum(
                    a_v[r, sl] + b_v[r, sl] + e_v[r, sl], 0.0)
            return cc

        lax.fori_loop(0, SUB, _crow, 0)
        pltpu.sync_copy(e_v, s_sp.at[lidx_v], add=True)
        pltpu.sync_copy(ones_v, d_sp.at[lidx_v], add=True)
        return carry

    lax.fori_loop(0, STEPS, _outer, 0)
    plsc.subcore_barrier()

    off = c * NACC + s * RT
    pltpu.sync_copy(s_sp.at[pl.ds(s * RT, RT)], s_out.at[pl.ds(off, RT)])
    pltpu.sync_copy(d_sp.at[pl.ds(s * RT, RT)], d_out.at[pl.ds(off, RT)])


_sc_edge = functools.partial(
    pl.kernel,
    mesh=plsc.VectorSubcoreMesh(core_axis_name="c", subcore_axis_name="s"),
    out_type=(
        jax.ShapeDtypeStruct((NC * NACC, D), jnp.float32),
        jax.ShapeDtypeStruct((NC * NACC, 16), jnp.float32),
    ),
    scratch_types=[
        pltpu.VMEM((SUB,), jnp.int32),
        pltpu.VMEM((SUB,), jnp.int32),
        pltpu.VMEM((SUB,), jnp.int32),
        pltpu.VMEM((SUB, D), jnp.float32),
        pltpu.VMEM((SUB, D), jnp.float32),
        pltpu.VMEM((SUB, D), jnp.float32),
        pltpu.VMEM((SUB, 16), jnp.float32),
        pltpu.VMEM_SHARED((NACC, D), jnp.float32),
        pltpu.VMEM_SHARED((NACC, 16), jnp.float32),
        pltpu.SemaphoreType.DMA,
    ],
)(_sc_edge_body)


def kernel(x, edge_index, edge_attr, congestion, W1, b1, W2, b2, U1, ub1, U2, ub2):
    x = x.astype(jnp.float32)
    src = edge_index[0].astype(jnp.int32)
    dst = edge_index[1].astype(jnp.int32)

    x_p = jnp.zeros((NPAD, D), jnp.float32).at[:N_NODES].set(x)
    cong_p = jnp.zeros((NPAD, 1), jnp.float32).at[:N_NODES, 0].set(congestion)
    pad = EPAD - N_EDGES
    src_p = jnp.concatenate([src, jnp.zeros((pad,), jnp.int32)])
    dst_p = jnp.concatenate([dst, jnp.full((pad,), N_NODES, jnp.int32)])
    attr_p = jnp.zeros((EPAD, ED), jnp.float32).at[:N_EDGES].set(edge_attr)

    w1s = W1[:D]
    w1d = W1[D:2 * D]
    w1e = W1[2 * D:2 * D + ED]
    w1c = W1[2 * D + ED:]
    u1a = U1[:D]
    u1b = U1[D:]

    full = lambda shape: pl.BlockSpec(shape, lambda i: (0,) * len(shape))

    a_tab, b_tab = pl.pallas_call(
        _node_pre_body,
        grid=(NPAD // 1024,),
        in_specs=[
            pl.BlockSpec((1024, D), lambda i: (i, 0)),
            pl.BlockSpec((1024, 1), lambda i: (i, 0)),
            full((D, D)), full((D, D)), full((1, D)),
        ],
        out_specs=[
            pl.BlockSpec((1024, D), lambda i: (i, 0)),
            pl.BlockSpec((1024, D), lambda i: (i, 0)),
        ],
        out_shape=[
            jax.ShapeDtypeStruct((NPAD, D), jnp.float32),
            jax.ShapeDtypeStruct((NPAD, D), jnp.float32),
        ],
    )(x_p, cong_p, w1s, w1d, w1c)

    e_tab = pl.pallas_call(
        _edge_pre_body,
        grid=(EPAD // 2048,),
        in_specs=[
            pl.BlockSpec((2048, ED), lambda i: (i, 0)),
            full((ED, D)), full((1, D)),
        ],
        out_specs=pl.BlockSpec((2048, D), lambda i: (i, 0)),
        out_shape=jax.ShapeDtypeStruct((EPAD, D), jnp.float32),
    )(attr_p, w1e, b1.reshape(1, D))

    ldst = jnp.concatenate([
        jnp.where(dst_p < NHALF, dst_p, DUMP),
        jnp.where(dst_p >= NHALF, dst_p - NHALF, DUMP),
    ])
    s_flat, d_flat = _sc_edge(a_tab, b_tab, e_tab, src_p, dst_p, ldst)
    s_full = jnp.concatenate(
        [s_flat[:NHALF], s_flat[NACC:NACC + N_NODES - NHALF]])
    d_full = jnp.concatenate(
        [d_flat[:NHALF], d_flat[NACC:NACC + N_NODES - NHALF]])

    out = pl.pallas_call(
        _post_body,
        grid=(N_NODES // 1000,),
        in_specs=[
            pl.BlockSpec((1000, D), lambda i: (i, 0)),
            pl.BlockSpec((1000, 16), lambda i: (i, 0)),
            pl.BlockSpec((1000, D), lambda i: (i, 0)),
            full((D, D)), full((1, D)),
            full((D, D)), full((D, D)), full((1, D)),
            full((D, D)), full((1, D)),
        ],
        out_specs=pl.BlockSpec((1000, D), lambda i: (i, 0)),
        out_shape=jax.ShapeDtypeStruct((N_NODES, D), jnp.float32),
    )(s_full, d_full, x_p[:N_NODES], W2, b2.reshape(1, D),
      u1a, u1b, ub1.reshape(1, D), U2, ub2.reshape(1, D))

    return out

# --- scband reference (transcript-rebuilt; emitter-appended) ---
"""Pipeline reference for scband-congestion-aware-mp-71579924955602 (READ-ONLY COPY).

The authoritative reference and input builder live on the scoring server;
editing this copy changes nothing except your own understanding.
"""

import jax, jax.numpy as jnp
import numpy as np

N_NODES = 10000
N_EDGES = 320000
NODE_DIM = 128
EDGE_DIM = 16
HIDDEN_DIM = 128


def setup_inputs(seed: int = 0) -> dict:
    key = jax.random.key(seed)
    ks = jax.random.split(key, 12)
    x = jax.random.normal(ks[0], (N_NODES, NODE_DIM), dtype=jnp.float32)
    edge_index = jax.random.randint(ks[1], (2, N_EDGES), 0, N_NODES, dtype=jnp.int64)
    edge_attr = jax.random.normal(ks[2], (N_EDGES, EDGE_DIM), dtype=jnp.float32)
    congestion = jax.random.uniform(ks[3], (N_NODES,), dtype=jnp.float32)
    # message_mlp: Linear(2*node_dim+edge_dim+1 -> hidden), ReLU, Linear(hidden -> node_dim)
    msg_in = 2 * NODE_DIM + EDGE_DIM + 1
    W1 = jax.random.normal(ks[4], (msg_in, HIDDEN_DIM), dtype=jnp.float32) * 0.05
    b1 = jnp.zeros((HIDDEN_DIM,), dtype=jnp.float32)
    W2 = jax.random.normal(ks[5], (HIDDEN_DIM, NODE_DIM), dtype=jnp.float32) * 0.05
    b2 = jnp.zeros((NODE_DIM,), dtype=jnp.float32)
    # update_mlp: Linear(2*node_dim -> hidden), ReLU, Linear(hidden -> node_dim)
    U1 = jax.random.normal(ks[6], (2 * NODE_DIM, HIDDEN_DIM), dtype=jnp.float32) * 0.05
    ub1 = jnp.zeros((HIDDEN_DIM,), dtype=jnp.float32)
    U2 = jax.random.normal(ks[7], (HIDDEN_DIM, NODE_DIM), dtype=jnp.float32) * 0.05
    ub2 = jnp.zeros((NODE_DIM,), dtype=jnp.float32)
    return {
        "x": x,
        "edge_index": edge_index,
        "edge_attr": edge_attr,
        "congestion": congestion,
        "W1": W1, "b1": b1, "W2": W2, "b2": b2,
        "U1": U1, "ub1": ub1, "U2": U2, "ub2": ub2,
    }


def reference(x, edge_index, edge_attr, congestion, W1, b1, W2, b2, U1, ub1, U2, ub2):
    src = edge_index[0]
    dst = edge_index[1]
    src_features = jnp.take(x, src, axis=0)
    dst_features = jnp.take(x, dst, axis=0)
    src_cong = jnp.take(congestion, src, axis=0)[:, None]
    m_in = jnp.concatenate([src_features, dst_features, edge_attr, src_cong], axis=-1)
    h = jax.nn.relu(m_in @ W1 + b1)
    messages = h @ W2 + b2
    aggregated = jnp.zeros_like(x).at[dst].add(messages)
    u_in = jnp.concatenate([x, aggregated], axis=-1)
    h2 = jax.nn.relu(u_in @ U1 + ub1)
    x_new = h2 @ U2 + ub2
    return x_new

if __name__ == "__main__":
    import jax
    _d = setup_inputs()
    print(jax.jit(kernel)(*tuple(_d.values())))

</pallas_src>

<mosaic_0001>
#map = affine_map<(d0, d1) -> (0, 0)>
#map1 = affine_map<(d0, d1) -> (0)>
module attributes {stable_mosaic.version = 14 : i64} {
  func.func @_sc_edge_body(%arg0: i32, %arg1: i32, %arg2: memref<10240x128xf32, #tpu.memory_space<hbm>>, %arg3: memref<10240x128xf32, #tpu.memory_space<hbm>>, %arg4: memref<327680x128xf32, #tpu.memory_space<hbm>>, %arg5: memref<327680xi32, #tpu.memory_space<hbm>>, %arg6: memref<327680xi32, #tpu.memory_space<hbm>>, %arg7: memref<655360xi32, #tpu.memory_space<hbm>>, %arg8: memref<12288x128xf32, #tpu.memory_space<hbm>>, %arg9: memref<12288x16xf32, #tpu.memory_space<hbm>>, %arg10: memref<32xi32, #tpu.memory_space<vmem>>, %arg11: memref<32xi32, #tpu.memory_space<vmem>>, %arg12: memref<32xi32, #tpu.memory_space<vmem>>, %arg13: memref<32x128xf32, #tpu.memory_space<vmem>>, %arg14: memref<32x128xf32, #tpu.memory_space<vmem>>, %arg15: memref<32x128xf32, #tpu.memory_space<vmem>>, %arg16: memref<32x16xf32, #tpu.memory_space<vmem>>, %arg17: memref<6144x128xf32, #tpu.memory_space<vmem_shared>>, %arg18: memref<6144x16xf32, #tpu.memory_space<vmem_shared>>, %arg19: memref<!tpu.dma_semaphore, #tpu.memory_space<semaphore_mem>>) attributes {dimension_semantics = [#tpu.dimension_semantics<core_parallel>, #tpu.dimension_semantics<subcore_parallel>], iteration_bounds = array<i64: 2, 16>, scalar_prefetch = 0 : i64, scratch_operands = 10 : i64, tpu.core_type = #tpu.core_type<sc_vector_subcore>, window_params = [{transform_indices = #map}, {transform_indices = #map}, {transform_indices = #map}, {transform_indices = #map1}, {transform_indices = #map1}, {transform_indices = #map1}, {transform_indices = #map}, {transform_indices = #map}]} {
    %broadcast_in_dim3A = arith.constant 0.000000e+00 : f32
    %broadcast_in_dim3A_0 = vector.broadcast %broadcast_in_dim3A : f32 to vector<16xf32>
    %broadcast_in_dim3A_1 = arith.constant 1.000000e+00 : f32
    %broadcast_in_dim3A_2 = vector.broadcast %broadcast_in_dim3A_1 : f32 to vector<16xf32>
    %scan3A = arith.constant 0 : i32
    %scan3A_3 = arith.constant 0 : i32
    %scan3A_4 = arith.constant 32 : i32
    %scan3A_5 = arith.addi %scan3A_3, %scan3A_4 : i32
    %scan3A_6 = arith.constant 1 : i32
    scf.for %scan3A_78 = %scan3A_3 to %scan3A_5 step %scan3A_6  : i32 {
      %swap3A = arith.index_cast %scan3A_78 : i32 to index
      %swap3A_79 = arith.constant 0 : index
      %swap3A_80 = tpu.vector_load %arg13[%swap3A, %swap3A_79] {strides = array<i32>} : memref<32x128xf32, #tpu.memory_space<vmem>>, vector<1x16xf32>,
      %swap3A_81 = vector.shape_cast %swap3A_80 : vector<1x16xf32> to vector<16xf32>
      %swap3A_82 = vector.shape_cast %broadcast_in_dim3A_0 : vector<16xf32> to vector<1x16xf32>
      tpu.vector_store %arg13[%swap3A, %swap3A_79], %swap3A_82 {strides = array<i32>} : memref<32x128xf32, #tpu.memory_space<vmem>>, vector<1x16xf32>,
      %swap3A_83 = arith.index_cast %scan3A_78 : i32 to index
      %swap3A_84 = arith.constant 16 : index
      %swap3A_85 = tpu.vector_load %arg13[%swap3A_83, %swap3A_84] {strides = array<i32>} : memref<32x128xf32, #tpu.memory_space<vmem>>, vector<1x16xf32>,
      %swap3A_86 = vector.shape_cast %swap3A_85 : vector<1x16xf32> to vector<16xf32>
      %swap3A_87 = vector.shape_cast %broadcast_in_dim3A_0 : vector<16xf32> to vector<1x16xf32>
      tpu.vector_store %arg13[%swap3A_83, %swap3A_84], %swap3A_87 {strides = array<i32>} : memref<32x128xf32, #tpu.memory_space<vmem>>, vector<1x16xf32>,
      %swap3A_88 = arith.index_cast %scan3A_78 : i32 to index
      %swap3A_89 = arith.constant 32 : index
      %swap3A_90 = tpu.vector_load %arg13[%swap3A_88, %swap3A_89] {strides = array<i32>} : memref<32x128xf32, #tpu.memory_space<vmem>>, vector<1x16xf32>,
      %swap3A_91 = vector.shape_cast %swap3A_90 : vector<1x16xf32> to vector<16xf32>
      %swap3A_92 = vector.shape_cast %broadcast_in_dim3A_0 : vector<16xf32> to vector<1x16xf32>
      tpu.vector_store %arg13[%swap3A_88, %swap3A_89], %swap3A_92 {strides = array<i32>} : memref<32x128xf32, #tpu.memory_space<vmem>>, vector<1x16xf32>,
      %swap3A_93 = arith.index_cast %scan3A_78 : i32 to index
      %swap3A_94 = arith.constant 48 : index
      %swap3A_95 = tpu.vector_load %arg13[%swap3A_93, %swap3A_94] {strides = array<i32>} : memref<32x128xf32, #tpu.memory_space<vmem>>, vector<1x16xf32>,
      %swap3A_96 = vector.shape_cast %swap3A_95 : vector<1x16xf32> to vector<16xf32>
      %swap3A_97 = vector.shape_cast %broadcast_in_dim3A_0 : vector<16xf32> to vector<1x16xf32>
      tpu.vector_store %arg13[%swap3A_93, %swap3A_94], %swap3A_97 {strides = array<i32>} : memref<32x128xf32, #tpu.memory_space<vmem>>, vector<1x16xf32>,
      %swap3A_98 = arith.index_cast %scan3A_78 : i32 to index
      %swap3A_99 = arith.constant 64 : index
      %swap3A_100 = tpu.vector_load %arg13[%swap3A_98, %swap3A_99] {strides = array<i32>} : memref<32x128xf32, #tpu.memory_space<vmem>>, vector<1x16xf32>,
      %swap3A_101 = vector.shape_cast %swap3A_100 : vector<1x16xf32> to vector<16xf32>
      %swap3A_102 = vector.shape_cast %broadcast_in_dim3A_0 : vector<16xf32> to vector<1x16xf32>
      tpu.vector_store %arg13[%swap3A_98, %swap3A_99], %swap3A_102 {strides = array<i32>} : memref<32x128xf32, #tpu.memory_space<vmem>>, vector<1x16xf32>,
      %swap3A_103 = arith.index_cast %scan3A_78 : i32 to index
      %swap3A_104 = arith.constant 80 : index
      %swap3A_105 = tpu.vector_load %arg13[%swap3A_103, %swap3A_104] {strides = array<i32>} : memref<32x128xf32, #tpu.memory_space<vmem>>, vector<1x16xf32>,
      %swap3A_106 = vector.shape_cast %swap3A_105 : vector<1x16xf32> to vector<16xf32>
      %swap3A_107 = vector.shape_cast %broadcast_in_dim3A_0 : vector<16xf32> to vector<1x16xf32>
      tpu.vector_store %arg13[%swap3A_103, %swap3A_104], %swap3A_107 {strides = array<i32>} : memref<32x128xf32, #tpu.memory_space<vmem>>, vector<1x16xf32>,
      %swap3A_108 = arith.index_cast %scan3A_78 : i32 to index
      %swap3A_109 = arith.constant 96 : index
      %swap3A_110 = tpu.vector_load %arg13[%swap3A_108, %swap3A_109] {strides = array<i32>} : memref<32x128xf32, #tpu.memory_space<vmem>>, vector<1x16xf32>,
      %swap3A_111 = vector.shape_cast %swap3A_110 : vector<1x16xf32> to vector<16xf32>
      %swap3A_112 = vector.shape_cast %broadcast_in_dim3A_0 : vector<16xf32> to vector<1x16xf32>
      tpu.vector_store %arg13[%swap3A_108, %swap3A_109], %swap3A_112 {strides = array<i32>} : memref<32x128xf32, #tpu.memory_space<vmem>>, vector<1x16xf32>,
      %swap3A_113 = arith.index_cast %scan3A_78 : i32 to index
      %swap3A_114 = arith.constant 112 : index
      %swap3A_115 = tpu.vector_load %arg13[%swap3A_113, %swap3A_114] {strides = array<i32>} : memref<32x128xf32, #tpu.memory_space<vmem>>, vector<1x16xf32>,
      %swap3A_116 = vector.shape_cast %swap3A_115 : vector<1x16xf32> to vector<16xf32>
      %swap3A_117 = vector.shape_cast %broadcast_in_dim3A_0 : vector<16xf32> to vector<1x16xf32>
      tpu.vector_store %arg13[%swap3A_113, %swap3A_114], %swap3A_117 {strides = array<i32>} : memref<32x128xf32, #tpu.memory_space<vmem>>, vector<1x16xf32>,
      %swap3A_118 = arith.index_cast %scan3A_78 : i32 to index
      %swap3A_119 = arith.constant 0 : index
      %swap3A_120 = tpu.vector_load %arg16[%swap3A_118, %swap3A_119] {strides = array<i32>} : memref<32x16xf32, #tpu.memory_space<vmem>>, vector<1x16xf32>,
      %swap3A_121 = vector.shape_cast %swap3A_120 : vector<1x16xf32> to vector<16xf32>
      %swap3A_122 = vector.shape_cast %broadcast_in_dim3A_0 : vector<16xf32> to vector<1x16xf32>
      tpu.vector_store %arg16[%swap3A_118, %swap3A_119], %swap3A_122 {strides = array<i32>} : memref<32x16xf32, #tpu.memory_space<vmem>>, vector<1x16xf32>,
    }
    %scan3A_7 = arith.constant 32 : i32
    %mul3A = arith.constant 384 : i32
    %mul3A_8 = arith.muli %arg1, %mul3A : i32
    %add3A = arith.constant 0 : i32
    %add3A_9 = arith.addi %mul3A_8, %add3A : i32
    "tpu.region"() ({
      %run_scoped3A = tpu.sem_alloc : memref<!tpu.dma_semaphore, #tpu.memory_space<semaphore_mem>>
      %dma_start3A = arith.constant 0 : i32
      %dma_start3A_78 = tpu.memref_slice %arg17[%add3A_9, %dma_start3A] : memref<6144x128xf32, #tpu.memory_space<vmem_shared>> -> memref<32x128xf32, #tpu.memory_space<vmem_shared>>
      %dma_start3A_79 = arith.constant 0 : i32
      %dma_start3A_80 = tpu.memref_slice %arg17[%add3A_9, %dma_start3A_79] : memref<6144x128xf32, #tpu.memory_space<vmem_shared>> -> memref<32x128xf32, #tpu.memory_space<vmem_shared>>
      tpu.enqueue_dma source(%arg13 : memref<32x128xf32, #tpu.memory_space<vmem>>) target(%dma_start3A_80 : memref<32x128xf32, #tpu.memory_space<vmem_shared>>) target_semaphore(%run_scoped3A : memref<!tpu.dma_semaphore, #tpu.memory_space<semaphore_mem>>)
      %dma_wait3A = arith.constant 0 : i32
      %dma_wait3A_81 = tpu.memref_slice %arg17[%add3A_9, %dma_wait3A] : memref<6144x128xf32, #tpu.memory_space<vmem_shared>> -> memref<32x128xf32, #tpu.memory_space<vmem_shared>>
      %dma_wait3A_82 = arith.constant 0 : i32
      %dma_wait3A_83 = tpu.memref_slice %arg17[%add3A_9, %dma_wait3A_82] : memref<6144x128xf32, #tpu.memory_space<vmem_shared>> -> memref<32x128xf32, #tpu.memory_space<vmem_shared>>
      tpu.wait_dma2 semaphore(%run_scoped3A : memref<!tpu.dma_semaphore, #tpu.memory_space<semaphore_mem>>) src(%arg13 : memref<32x128xf32, #tpu.memory_space<vmem>>) dst(%dma_wait3A_83 : memref<32x128xf32, #tpu.memory_space<vmem_shared>>)
      tpu.yield
    }) : () -> ()
    "tpu.region"() ({
      %run_scoped3A = tpu.sem_alloc : memref<!tpu.dma_semaphore, #tpu.memory_space<semaphore_mem>>
      %dma_start3A = arith.constant 0 : i32
      %dma_start3A_78 = tpu.memref_slice %arg18[%add3A_9, %dma_start3A] : memref<6144x16xf32, #tpu.memory_space<vmem_shared>> -> memref<32x16xf32, #tpu.memory_space<vmem_shared>>
      %dma_start3A_79 = arith.constant 0 : i32
      %dma_start3A_80 = tpu.memref_slice %arg18[%add3A_9, %dma_start3A_79] : memref<6144x16xf32, #tpu.memory_space<vmem_shared>> -> memref<32x16xf32, #tpu.memory_space<vmem_shared>>
      tpu.enqueue_dma source(%arg16 : memref<32x16xf32, #tpu.memory_space<vmem>>) target(%dma_start3A_80 : memref<32x16xf32, #tpu.memory_space<vmem_shared>>) target_semaphore(%run_scoped3A : memref<!tpu.dma_semaphore, #tpu.memory_space<semaphore_mem>>)
      %dma_wait3A = arith.constant 0 : i32
      %dma_wait3A_81 = tpu.memref_slice %arg18[%add3A_9, %dma_wait3A] : memref<6144x16xf32, #tpu.memory_space<vmem_shared>> -> memref<32x16xf32, #tpu.memory_space<vmem_shared>>
      %dma_wait3A_82 = arith.constant 0 : i32
      %dma_wait3A_83 = tpu.memref_slice %arg18[%add3A_9, %dma_wait3A_82] : memref<6144x16xf32, #tpu.memory_space<vmem_shared>> -> memref<32x16xf32, #tpu.memory_space<vmem_shared>>
      tpu.wait_dma2 semaphore(%run_scoped3A : memref<!tpu.dma_semaphore, #tpu.memory_space<semaphore_mem>>) src(%arg16 : memref<32x16xf32, #tpu.memory_space<vmem>>) dst(%dma_wait3A_83 : memref<32x16xf32, #tpu.memory_space<vmem_shared>>)
      tpu.yield
    }) : () -> ()
    %mul3A_10 = arith.constant 384 : i32
    %mul3A_11 = arith.muli %arg1, %mul3A_10 : i32
    %add3A_12 = arith.constant 32 : i32
    %add3A_13 = arith.addi %mul3A_11, %add3A_12 : i32
    "tpu.region"() ({
      %run_scoped3A = tpu.sem_alloc : memref<!tpu.dma_semaphore, #tpu.memory_space<semaphore_mem>>
      %dma_start3A = arith.constant 0 : i32
      %dma_start3A_78 = tpu.memref_slice %arg17[%add3A_13, %dma_start3A] : memref<6144x128xf32, #tpu.memory_space<vmem_shared>> -> memref<32x128xf32, #tpu.memory_space<vmem_shared>>
      %dma_start3A_79 = arith.constant 0 : i32
      %dma_start3A_80 = tpu.memref_slice %arg17[%add3A_13, %dma_start3A_79] : memref<6144x128xf32, #tpu.memory_space<vmem_shared>> -> memref<32x128xf32, #tpu.memory_space<vmem_shared>>
      tpu.enqueue_dma source(%arg13 : memref<32x128xf32, #tpu.memory_space<vmem>>) target(%dma_start3A_80 : memref<32x128xf32, #tpu.memory_space<vmem_shared>>) target_semaphore(%run_scoped3A : memref<!tpu.dma_semaphore, #tpu.memory_space<semaphore_mem>>)
      %dma_wait3A = arith.constant 0 : i32
      %dma_wait3A_81 = tpu.memref_slice %arg17[%add3A_13, %dma_wait3A] : memref<6144x128xf32, #tpu.memory_space<vmem_shared>> -> memref<32x128xf32, #tpu.memory_space<vmem_shared>>
      %dma_wait3A_82 = arith.constant 0 : i32
      %dma_wait3A_83 = tpu.memref_slice %arg17[%add3A_13, %dma_wait3A_82] : memref<6144x128xf32, #tpu.memory_space<vmem_shared>> -> memref<32x128xf32, #tpu.memory_space<vmem_shared>>
      tpu.wait_dma2 semaphore(%run_scoped3A : memref<!tpu.dma_semaphore, #tpu.memory_space<semaphore_mem>>) src(%arg13 : memref<32x128xf32, #tpu.memory_space<vmem>>) dst(%dma_wait3A_83 : memref<32x128xf32, #tpu.memory_space<vmem_shared>>)
      tpu.yield
    }) : () -> ()
    "tpu.region"() ({
      %run_scoped3A = tpu.sem_alloc : memref<!tpu.dma_semaphore, #tpu.memory_space<semaphore_mem>>
      %dma_start3A = arith.constant 0 : i32
      %dma_start3A_78 = tpu.memref_slice %arg18[%add3A_13, %dma_start3A] : memref<6144x16xf32, #tpu.memory_space<vmem_shared>> -> memref<32x16xf32, #tpu.memory_space<vmem_shared>>
      %dma_start3A_79 = arith.constant 0 : i32
      %dma_start3A_80 = tpu.memref_slice %arg18[%add3A_13, %dma_start3A_79] : memref<6144x16xf32, #tpu.memory_space<vmem_shared>> -> memref<32x16xf32, #tpu.memory_space<vmem_shared>>
      tpu.enqueue_dma source(%arg16 : memref<32x16xf32, #tpu.memory_space<vmem>>) target(%dma_start3A_80 : memref<32x16xf32, #tpu.memory_space<vmem_shared>>) target_semaphore(%run_scoped3A : memref<!tpu.dma_semaphore, #tpu.memory_space<semaphore_mem>>)
      %dma_wait3A = arith.constant 0 : i32
      %dma_wait3A_81 = tpu.memref_slice %arg18[%add3A_13, %dma_wait3A] : memref<6144x16xf32, #tpu.memory_space<vmem_shared>> -> memref<32x16xf32, #tpu.memory_space<vmem_shared>>
      %dma_wait3A_82 = arith.constant 0 : i32
      %dma_wait3A_83 = tpu.memref_slice %arg18[%add3A_13, %dma_wait3A_82] : memref<6144x16xf32, #tpu.memory_space<vmem_shared>> -> memref<32x16xf32, #tpu.memory_space<vmem_shared>>
      tpu.wait_dma2 semaphore(%run_scoped3A : memref<!tpu.dma_semaphore, #tpu.memory_space<semaphore_mem>>) src(%arg16 : memref<32x16xf32, #tpu.memory_space<vmem>>) dst(%dma_wait3A_83 : memref<32x16xf32, #tpu.memory_space<vmem_shared>>)
      tpu.yield
    }) : () -> ()
    %mul3A_14 = arith.constant 384 : i32
    %mul3A_15 = arith.muli %arg1, %mul3A_14 : i32
    %add3A_16 = arith.constant 64 : i32
    %add3A_17 = arith.addi %mul3A_15, %add3A_16 : i32
    "tpu.region"() ({
      %run_scoped3A = tpu.sem_alloc : memref<!tpu.dma_semaphore, #tpu.memory_space<semaphore_mem>>
      %dma_start3A = arith.constant 0 : i32
      %dma_start3A_78 = tpu.memref_slice %arg17[%add3A_17, %dma_start3A] : memref<6144x128xf32, #tpu.memory_space<vmem_shared>> -> memref<32x128xf32, #tpu.memory_space<vmem_shared>>
      %dma_start3A_79 = arith.constant 0 : i32
      %dma_start3A_80 = tpu.memref_slice %arg17[%add3A_17, %dma_start3A_79] : memref<6144x128xf32, #tpu.memory_space<vmem_shared>> -> memref<32x128xf32, #tpu.memory_space<vmem_shared>>
      tpu.enqueue_dma source(%arg13 : memref<32x128xf32, #tpu.memory_space<vmem>>) target(%dma_start3A_80 : memref<32x128xf32, #tpu.memory_space<vmem_shared>>) target_semaphore(%run_scoped3A : memref<!tpu.dma_semaphore, #tpu.memory_space<semaphore_mem>>)
      %dma_wait3A = arith.constant 0 : i32
      %dma_wait3A_81 = tpu.memref_slice %arg17[%add3A_17, %dma_wait3A] : memref<6144x128xf32, #tpu.memory_space<vmem_shared>> -> memref<32x128xf32, #tpu.memory_space<vmem_shared>>
      %dma_wait3A_82 = arith.constant 0 : i32
      %dma_wait3A_83 = tpu.memref_slice %arg17[%add3A_17, %dma_wait3A_82] : memref<6144x128xf32, #tpu.memory_space<vmem_shared>> -> memref<32x128xf32, #tpu.memory_space<vmem_shared>>
      tpu.wait_dma2 semaphore(%run_scoped3A : memref<!tpu.dma_semaphore, #tpu.memory_space<semaphore_mem>>) src(%arg13 : memref<32x128xf32, #tpu.memory_space<vmem>>) dst(%dma_wait3A_83 : memref<32x128xf32, #tpu.memory_space<vmem_shared>>)
      tpu.yield
    }) : () -> ()
    "tpu.region"() ({
      %run_scoped3A = tpu.sem_alloc : memref<!tpu.dma_semaphore, #tpu.memory_space<semaphore_mem>>
      %dma_start3A = arith.constant 0 : i32
      %dma_start3A_78 = tpu.memref_slice %arg18[%add3A_17, %dma_start3A] : memref<6144x16xf32, #tpu.memory_space<vmem_shared>> -> memref<32x16xf32, #tpu.memory_space<vmem_shared>>
      %dma_start3A_79 = arith.constant 0 : i32
      %dma_start3A_80 = tpu.memref_slice %arg18[%add3A_17, %dma_start3A_79] : memref<6144x16xf32, #tpu.memory_space<vmem_shared>> -> memref<32x16xf32, #tpu.memory_space<vmem_shared>>
      tpu.enqueue_dma source(%arg16 : memref<32x16xf32, #tpu.memory_space<vmem>>) target(%dma_start3A_80 : memref<32x16xf32, #tpu.memory_space<vmem_shared>>) target_semaphore(%run_scoped3A : memref<!tpu.dma_semaphore, #tpu.memory_space<semaphore_mem>>)
      %dma_wait3A = arith.constant 0 : i32
      %dma_wait3A_81 = tpu.memref_slice %arg18[%add3A_17, %dma_wait3A] : memref<6144x16xf32, #tpu.memory_space<vmem_shared>> -> memref<32x16xf32, #tpu.memory_space<vmem_shared>>
      %dma_wait3A_82 = arith.constant 0 : i32
      %dma_wait3A_83 = tpu.memref_slice %arg18[%add3A_17, %dma_wait3A_82] : memref<6144x16xf32, #tpu.memory_space<vmem_shared>> -> memref<32x16xf32, #tpu.memory_space<vmem_shared>>
      tpu.wait_dma2 semaphore(%run_scoped3A : memref<!tpu.dma_semaphore, #tpu.memory_space<semaphore_mem>>) src(%arg16 : memref<32x16xf32, #tpu.memory_space<vmem>>) dst(%dma_wait3A_83 : memref<32x16xf32, #tpu.memory_space<vmem_shared>>)
      tpu.yield
    }) : () -> ()
    %mul3A_18 = arith.constant 384 : i32
    %mul3A_19 = arith.muli %arg1, %mul3A_18 : i32
    %add3A_20 = arith.constant 96 : i32
    %add3A_21 = arith.addi %mul3A_19, %add3A_20 : i32
    "tpu.region"() ({
      %run_scoped3A = tpu.sem_alloc : memref<!tpu.dma_semaphore, #tpu.memory_space<semaphore_mem>>
      %dma_start3A = arith.constant 0 : i32
      %dma_start3A_78 = tpu.memref_slice %arg17[%add3A_21, %dma_start3A] : memref<6144x128xf32, #tpu.memory_space<vmem_shared>> -> memref<32x128xf32, #tpu.memory_space<vmem_shared>>
      %dma_start3A_79 = arith.constant 0 : i32
      %dma_start3A_80 = tpu.memref_slice %arg17[%add3A_21, %dma_start3A_79] : memref<6144x128xf32, #tpu.memory_space<vmem_shared>> -> memref<32x128xf32, #tpu.memory_space<vmem_shared>>
      tpu.enqueue_dma source(%arg13 : memref<32x128xf32, #tpu.memory_space<vmem>>) target(%dma_start3A_80 : memref<32x128xf32, #tpu.memory_space<vmem_shared>>) target_semaphore(%run_scoped3A : memref<!tpu.dma_semaphore, #tpu.memory_space<semaphore_mem>>)
      %dma_wait3A = arith.constant 0 : i32
      %dma_wait3A_81 = tpu.memref_slice %arg17[%add3A_21, %dma_wait3A] : memref<6144x128xf32, #tpu.memory_space<vmem_shared>> -> memref<32x128xf32, #tpu.memory_space<vmem_shared>>
      %dma_wait3A_82 = arith.constant 0 : i32
      %dma_wait3A_83 = tpu.memref_slice %arg17[%add3A_21, %dma_wait3A_82] : memref<6144x128xf32, #tpu.memory_space<vmem_shared>> -> memref<32x128xf32, #tpu.memory_space<vmem_shared>>
      tpu.wait_dma2 semaphore(%run_scoped3A : memref<!tpu.dma_semaphore, #tpu.memory_space<semaphore_mem>>) src(%arg13 : memref<32x128xf32, #tpu.memory_space<vmem>>) dst(%dma_wait3A_83 : memref<32x128xf32, #tpu.memory_space<vmem_shared>>)
      tpu.yield
    }) : () -> ()
    "tpu.region"() ({
      %run_scoped3A = tpu.sem_alloc : memref<!tpu.dma_semaphore, #tpu.memory_space<semaphore_mem>>
      %dma_start3A = arith.constant 0 : i32
      %dma_start3A_78 = tpu.memref_slice %arg18[%add3A_21, %dma_start3A] : memref<6144x16xf32, #tpu.memory_space<vmem_shared>> -> memref<32x16xf32, #tpu.memory_space<vmem_shared>>
      %dma_start3A_79 = arith.constant 0 : i32
      %dma_start3A_80 = tpu.memref_slice %arg18[%add3A_21, %dma_start3A_79] : memref<6144x16xf32, #tpu.memory_space<vmem_shared>> -> memref<32x16xf32, #tpu.memory_space<vmem_shared>>
      tpu.enqueue_dma source(%arg16 : memref<32x16xf32, #tpu.memory_space<vmem>>) target(%dma_start3A_80 : memref<32x16xf32, #tpu.memory_space<vmem_shared>>) target_semaphore(%run_scoped3A : memref<!tpu.dma_semaphore, #tpu.memory_space<semaphore_mem>>)
      %dma_wait3A = arith.constant 0 : i32
      %dma_wait3A_81 = tpu.memref_slice %arg18[%add3A_21, %dma_wait3A] : memref<6144x16xf32, #tpu.memory_space<vmem_shared>> -> memref<32x16xf32, #tpu.memory_space<vmem_shared>>
      %dma_wait3A_82 = arith.constant 0 : i32
      %dma_wait3A_83 = tpu.memref_slice %arg18[%add3A_21, %dma_wait3A_82] : memref<6144x16xf32, #tpu.memory_space<vmem_shared>> -> memref<32x16xf32, #tpu.memory_space<vmem_shared>>
      tpu.wait_dma2 semaphore(%run_scoped3A : memref<!tpu.dma_semaphore, #tpu.memory_space<semaphore_mem>>) src(%arg16 : memref<32x16xf32, #tpu.memory_space<vmem>>) dst(%dma_wait3A_83 : memref<32x16xf32, #tpu.memory_space<vmem_shared>>)
      tpu.yield
    }) : () -> ()
    %mul3A_22 = arith.constant 384 : i32
    %mul3A_23 = arith.muli %arg1, %mul3A_22 : i32
    %add3A_24 = arith.constant 128 : i32
    %add3A_25 = arith.addi %mul3A_23, %add3A_24 : i32
    "tpu.region"() ({
      %run_scoped3A = tpu.sem_alloc : memref<!tpu.dma_semaphore, #tpu.memory_space<semaphore_mem>>
      %dma_start3A = arith.constant 0 : i32
      %dma_start3A_78 = tpu.memref_slice %arg17[%add3A_25, %dma_start3A] : memref<6144x128xf32, #tpu.memory_space<vmem_shared>> -> memref<32x128xf32, #tpu.memory_space<vmem_shared>>
      %dma_start3A_79 = arith.constant 0 : i32
      %dma_start3A_80 = tpu.memref_slice %arg17[%add3A_25, %dma_start3A_79] : memref<6144x128xf32, #tpu.memory_space<vmem_shared>> -> memref<32x128xf32, #tpu.memory_space<vmem_shared>>
      tpu.enqueue_dma source(%arg13 : memref<32x128xf32, #tpu.memory_space<vmem>>) target(%dma_start3A_80 : memref<32x128xf32, #tpu.memory_space<vmem_shared>>) target_semaphore(%run_scoped3A : memref<!tpu.dma_semaphore, #tpu.memory_space<semaphore_mem>>)
      %dma_wait3A = arith.constant 0 : i32
      %dma_wait3A_81 = tpu.memref_slice %arg17[%add3A_25, %dma_wait3A] : memref<6144x128xf32, #tpu.memory_space<vmem_shared>> -> memref<32x128xf32, #tpu.memory_space<vmem_shared>>
      %dma_wait3A_82 = arith.constant 0 : i32
      %dma_wait3A_83 = tpu.memref_slice %arg17[%add3A_25, %dma_wait3A_82] : memref<6144x128xf32, #tpu.memory_space<vmem_shared>> -> memref<32x128xf32, #tpu.memory_space<vmem_shared>>
      tpu.wait_dma2 semaphore(%run_scoped3A : memref<!tpu.dma_semaphore, #tpu.memory_space<semaphore_mem>>) src(%arg13 : memref<32x128xf32, #tpu.memory_space<vmem>>) dst(%dma_wait3A_83 : memref<32x128xf32, #tpu.memory_space<vmem_shared>>)
      tpu.yield
    }) : () -> ()
    "tpu.region"() ({
      %run_scoped3A = tpu.sem_alloc : memref<!tpu.dma_semaphore, #tpu.memory_space<semaphore_mem>>
      %dma_start3A = arith.constant 0 : i32
      %dma_start3A_78 = tpu.memref_slice %arg18[%add3A_25, %dma_start3A] : memref<6144x16xf32, #tpu.memory_space<vmem_shared>> -> memref<32x16xf32, #tpu.memory_space<vmem_shared>>
      %dma_start3A_79 = arith.constant 0 : i32
      %dma_start3A_80 = tpu.memref_slice %arg18[%add3A_25, %dma_start3A_79] : memref<6144x16xf32, #tpu.memory_space<vmem_shared>> -> memref<32x16xf32, #tpu.memory_space<vmem_shared>>
      tpu.enqueue_dma source(%arg16 : memref<32x16xf32, #tpu.memory_space<vmem>>) target(%dma_start3A_80 : memref<32x16xf32, #tpu.memory_space<vmem_shared>>) target_semaphore(%run_scoped3A : memref<!tpu.dma_semaphore, #tpu.memory_space<semaphore_mem>>)
      %dma_wait3A = arith.constant 0 : i32
      %dma_wait3A_81 = tpu.memref_slice %arg18[%add3A_25, %dma_wait3A] : memref<6144x16xf32, #tpu.memory_space<vmem_shared>> -> memref<32x16xf32, #tpu.memory_space<vmem_shared>>
      %dma_wait3A_82 = arith.constant 0 : i32
      %dma_wait3A_83 = tpu.memref_slice %arg18[%add3A_25, %dma_wait3A_82] : memref<6144x16xf32, #tpu.memory_space<vmem_shared>> -> memref<32x16xf32, #tpu.memory_space<vmem_shared>>
      tpu.wait_dma2 semaphore(%run_scoped3A : memref<!tpu.dma_semaphore, #tpu.memory_space<semaphore_mem>>) src(%arg16 : memref<32x16xf32, #tpu.memory_space<vmem>>) dst(%dma_wait3A_83 : memref<32x16xf32, #tpu.memory_space<vmem_shared>>)
      tpu.yield
    }) : () -> ()
    %mul3A_26 = arith.constant 384 : i32
    %mul3A_27 = arith.muli %arg1, %mul3A_26 : i32
    %add3A_28 = arith.constant 160 : i32
    %add3A_29 = arith.addi %mul3A_27, %add3A_28 : i32
    "tpu.region"() ({
      %run_scoped3A = tpu.sem_alloc : memref<!tpu.dma_semaphore, #tpu.memory_space<semaphore_mem>>
      %dma_start3A = arith.constant 0 : i32
      %dma_start3A_78 = tpu.memref_slice %arg17[%add3A_29, %dma_start3A] : memref<6144x128xf32, #tpu.memory_space<vmem_shared>> -> memref<32x128xf32, #tpu.memory_space<vmem_shared>>
      %dma_start3A_79 = arith.constant 0 : i32
      %dma_start3A_80 = tpu.memref_slice %arg17[%add3A_29, %dma_start3A_79] : memref<6144x128xf32, #tpu.memory_space<vmem_shared>> -> memref<32x128xf32, #tpu.memory_space<vmem_shared>>
      tpu.enqueue_dma source(%arg13 : memref<32x128xf32, #tpu.memory_space<vmem>>) target(%dma_start3A_80 : memref<32x128xf32, #tpu.memory_space<vmem_shared>>) target_semaphore(%run_scoped3A : memref<!tpu.dma_semaphore, #tpu.memory_space<semaphore_mem>>)
      %dma_wait3A = arith.constant 0 : i32
      %dma_wait3A_81 = tpu.memref_slice %arg17[%add3A_29, %dma_wait3A] : memref<6144x128xf32, #tpu.memory_space<vmem_shared>> -> memref<32x128xf32, #tpu.memory_space<vmem_shared>>
      %dma_wait3A_82 = arith.constant 0 : i32
      %dma_wait3A_83 = tpu.memref_slice %arg17[%add3A_29, %dma_wait3A_82] : memref<6144x128xf32, #tpu.memory_space<vmem_shared>> -> memref<32x128xf32, #tpu.memory_space<vmem_shared>>
      tpu.wait_dma2 semaphore(%run_scoped3A : memref<!tpu.dma_semaphore, #tpu.memory_space<semaphore_mem>>) src(%arg13 : memref<32x128xf32, #tpu.memory_space<vmem>>) dst(%dma_wait3A_83 : memref<32x128xf32, #tpu.memory_space<vmem_shared>>)
      tpu.yield
    }) : () -> ()
    "tpu.region"() ({
      %run_scoped3A = tpu.sem_alloc : memref<!tpu.dma_semaphore, #tpu.memory_space<semaphore_mem>>
      %dma_start3A = arith.constant 0 : i32
      %dma_start3A_78 = tpu.memref_slice %arg18[%add3A_29, %dma_start3A] : memref<6144x16xf32, #tpu.memory_space<vmem_shared>> -> memref<32x16xf32, #tpu.memory_space<vmem_shared>>
      %dma_start3A_79 = arith.constant 0 : i32
      %dma_start3A_80 = tpu.memref_slice %arg18[%add3A_29, %dma_start3A_79] : memref<6144x16xf32, #tpu.memory_space<vmem_shared>> -> memref<32x16xf32, #tpu.memory_space<vmem_shared>>
      tpu.enqueue_dma source(%arg16 : memref<32x16xf32, #tpu.memory_space<vmem>>) target(%dma_start3A_80 : memref<32x16xf32, #tpu.memory_space<vmem_shared>>) target_semaphore(%run_scoped3A : memref<!tpu.dma_semaphore, #tpu.memory_space<semaphore_mem>>)
      %dma_wait3A = arith.constant 0 : i32
      %dma_wait3A_81 = tpu.memref_slice %arg18[%add3A_29, %dma_wait3A] : memref<6144x16xf32, #tpu.memory_space<vmem_shared>> -> memref<32x16xf32, #tpu.memory_space<vmem_shared>>
      %dma_wait3A_82 = arith.constant 0 : i32
      %dma_wait3A_83 = tpu.memref_slice %arg18[%add3A_29, %dma_wait3A_82] : memref<6144x16xf32, #tpu.memory_space<vmem_shared>> -> memref<32x16xf32, #tpu.memory_space<vmem_shared>>
      tpu.wait_dma2 semaphore(%run_scoped3A : memref<!tpu.dma_semaphore, #tpu.memory_space<semaphore_mem>>) src(%arg16 : memref<32x16xf32, #tpu.memory_space<vmem>>) dst(%dma_wait3A_83 : memref<32x16xf32, #tpu.memory_space<vmem_shared>>)
      tpu.yield
    }) : () -> ()
    %mul3A_30 = arith.constant 384 : i32
    %mul3A_31 = arith.muli %arg1, %mul3A_30 : i32
    %add3A_32 = arith.constant 192 : i32
    %add3A_33 = arith.addi %mul3A_31, %add3A_32 : i32
    "tpu.region"() ({
      %run_scoped3A = tpu.sem_alloc : memref<!tpu.dma_semaphore, #tpu.memory_space<semaphore_mem>>
      %dma_start3A = arith.constant 0 : i32
      %dma_start3A_78 = tpu.memref_slice %arg17[%add3A_33, %dma_start3A] : memref<6144x128xf32, #tpu.memory_space<vmem_shared>> -> memref<32x128xf32, #tpu.memory_space<vmem_shared>>
      %dma_start3A_79 = arith.constant 0 : i32
      %dma_start3A_80 = tpu.memref_slice %arg17[%add3A_33, %dma_start3A_79] : memref<6144x128xf32, #tpu.memory_space<vmem_shared>> -> memref<32x128xf32, #tpu.memory_space<vmem_shared>>
      tpu.enqueue_dma source(%arg13 : memref<32x128xf32, #tpu.memory_space<vmem>>) target(%dma_start3A_80 : memref<32x128xf32, #tpu.memory_space<vmem_shared>>) target_semaphore(%run_scoped3A : memref<!tpu.dma_semaphore, #tpu.memory_space<semaphore_mem>>)
      %dma_wait3A = arith.constant 0 : i32
      %dma_wait3A_81 = tpu.memref_slice %arg17[%add3A_33, %dma_wait3A] : memref<6144x128xf32, #tpu.memory_space<vmem_shared>> -> memref<32x128xf32, #tpu.memory_space<vmem_shared>>
      %dma_wait3A_82 = arith.constant 0 : i32
      %dma_wait3A_83 = tpu.memref_slice %arg17[%add3A_33, %dma_wait3A_82] : memref<6144x128xf32, #tpu.memory_space<vmem_shared>> -> memref<32x128xf32, #tpu.memory_space<vmem_shared>>
      tpu.wait_dma2 semaphore(%run_scoped3A : memref<!tpu.dma_semaphore, #tpu.memory_space<semaphore_mem>>) src(%arg13 : memref<32x128xf32, #tpu.memory_space<vmem>>) dst(%dma_wait3A_83 : memref<32x128xf32, #tpu.memory_space<vmem_shared>>)
      tpu.yield
    }) : () -> ()
    "tpu.region"() ({
      %run_scoped3A = tpu.sem_alloc : memref<!tpu.dma_semaphore, #tpu.memory_space<semaphore_mem>>
      %dma_start3A = arith.constant 0 : i32
      %dma_start3A_78 = tpu.memref_slice %arg18[%add3A_33, %dma_start3A] : memref<6144x16xf32, #tpu.memory_space<vmem_shared>> -> memref<32x16xf32, #tpu.memory_space<vmem_shared>>
      %dma_start3A_79 = arith.constant 0 : i32
      %dma_start3A_80 = tpu.memref_slice %arg18[%add3A_33, %dma_start3A_79] : memref<6144x16xf32, #tpu.memory_space<vmem_shared>> -> memref<32x16xf32, #tpu.memory_space<vmem_shared>>
      tpu.enqueue_dma source(%arg16 : memref<32x16xf32, #tpu.memory_space<vmem>>) target(%dma_start3A_80 : memref<32x16xf32, #tpu.memory_space<vmem_shared>>) target_semaphore(%run_scoped3A : memref<!tpu.dma_semaphore, #tpu.memory_space<semaphore_mem>>)
      %dma_wait3A = arith.constant 0 : i32
      %dma_wait3A_81 = tpu.memref_slice %arg18[%add3A_33, %dma_wait3A] : memref<6144x16xf32, #tpu.memory_space<vmem_shared>> -> memref<32x16xf32, #tpu.memory_space<vmem_shared>>
      %dma_wait3A_82 = arith.constant 0 : i32
      %dma_wait3A_83 = tpu.memref_slice %arg18[%add3A_33, %dma_wait3A_82] : memref<6144x16xf32, #tpu.memory_space<vmem_shared>> -> memref<32x16xf32, #tpu.memory_space<vmem_shared>>
      tpu.wait_dma2 semaphore(%run_scoped3A : memref<!tpu.dma_semaphore, #tpu.memory_space<semaphore_mem>>) src(%arg16 : memref<32x16xf32, #tpu.memory_space<vmem>>) dst(%dma_wait3A_83 : memref<32x16xf32, #tpu.memory_space<vmem_shared>>)
      tpu.yield
    }) : () -> ()
    %mul3A_34 = arith.constant 384 : i32
    %mul3A_35 = arith.muli %arg1, %mul3A_34 : i32
    %add3A_36 = arith.constant 224 : i32
    %add3A_37 = arith.addi %mul3A_35, %add3A_36 : i32
    "tpu.region"() ({
      %run_scoped3A = tpu.sem_alloc : memref<!tpu.dma_semaphore, #tpu.memory_space<semaphore_mem>>
      %dma_start3A = arith.constant 0 : i32
      %dma_start3A_78 = tpu.memref_slice %arg17[%add3A_37, %dma_start3A] : memref<6144x128xf32, #tpu.memory_space<vmem_shared>> -> memref<32x128xf32, #tpu.memory_space<vmem_shared>>
      %dma_start3A_79 = arith.constant 0 : i32
      %dma_start3A_80 = tpu.memref_slice %arg17[%add3A_37, %dma_start3A_79] : memref<6144x128xf32, #tpu.memory_space<vmem_shared>> -> memref<32x128xf32, #tpu.memory_space<vmem_shared>>
      tpu.enqueue_dma source(%arg13 : memref<32x128xf32, #tpu.memory_space<vmem>>) target(%dma_start3A_80 : memref<32x128xf32, #tpu.memory_space<vmem_shared>>) target_semaphore(%run_scoped3A : memref<!tpu.dma_semaphore, #tpu.memory_space<semaphore_mem>>)
      %dma_wait3A = arith.constant 0 : i32
      %dma_wait3A_81 = tpu.memref_slice %arg17[%add3A_37, %dma_wait3A] : memref<6144x128xf32, #tpu.memory_space<vmem_shared>> -> memref<32x128xf32, #tpu.memory_space<vmem_shared>>
      %dma_wait3A_82 = arith.constant 0 : i32
      %dma_wait3A_83 = tpu.memref_slice %arg17[%add3A_37, %dma_wait3A_82] : memref<6144x128xf32, #tpu.memory_space<vmem_shared>> -> memref<32x128xf32, #tpu.memory_space<vmem_shared>>
      tpu.wait_dma2 semaphore(%run_scoped3A : memref<!tpu.dma_semaphore, #tpu.memory_space<semaphore_mem>>) src(%arg13 : memref<32x128xf32, #tpu.memory_space<vmem>>) dst(%dma_wait3A_83 : memref<32x128xf32, #tpu.memory_space<vmem_shared>>)
      tpu.yield
    }) : () -> ()
    "tpu.region"() ({
      %run_scoped3A = tpu.sem_alloc : memref<!tpu.dma_semaphore, #tpu.memory_space<semaphore_mem>>
      %dma_start3A = arith.constant 0 : i32
      %dma_start3A_78 = tpu.memref_slice %arg18[%add3A_37, %dma_start3A] : memref<6144x16xf32, #tpu.memory_space<vmem_shared>> -> memref<32x16xf32, #tpu.memory_space<vmem_shared>>
      %dma_start3A_79 = arith.constant 0 : i32
      %dma_start3A_80 = tpu.memref_slice %arg18[%add3A_37, %dma_start3A_79] : memref<6144x16xf32, #tpu.memory_space<vmem_shared>> -> memref<32x16xf32, #tpu.memory_space<vmem_shared>>
      tpu.enqueue_dma source(%arg16 : memref<32x16xf32, #tpu.memory_space<vmem>>) target(%dma_start3A_80 : memref<32x16xf32, #tpu.memory_space<vmem_shared>>) target_semaphore(%run_scoped3A : memref<!tpu.dma_semaphore, #tpu.memory_space<semaphore_mem>>)
      %dma_wait3A = arith.constant 0 : i32
      %dma_wait3A_81 = tpu.memref_slice %arg18[%add3A_37, %dma_wait3A] : memref<6144x16xf32, #tpu.memory_space<vmem_shared>> -> memref<32x16xf32, #tpu.memory_space<vmem_shared>>
      %dma_wait3A_82 = arith.constant 0 : i32
      %dma_wait3A_83 = tpu.memref_slice %arg18[%add3A_37, %dma_wait3A_82] : memref<6144x16xf32, #tpu.memory_space<vmem_shared>> -> memref<32x16xf32, #tpu.memory_space<vmem_shared>>
      tpu.wait_dma2 semaphore(%run_scoped3A : memref<!tpu.dma_semaphore, #tpu.memory_space<semaphore_mem>>) src(%arg16 : memref<32x16xf32, #tpu.memory_space<vmem>>) dst(%dma_wait3A_83 : memref<32x16xf32, #tpu.memory_space<vmem_shared>>)
      tpu.yield
    }) : () -> ()
    %mul3A_38 = arith.constant 384 : i32
    %mul3A_39 = arith.muli %arg1, %mul3A_38 : i32
    %add3A_40 = arith.constant 256 : i32
    %add3A_41 = arith.addi %mul3A_39, %add3A_40 : i32
    "tpu.region"() ({
      %run_scoped3A = tpu.sem_alloc : memref<!tpu.dma_semaphore, #tpu.memory_space<semaphore_mem>>
      %dma_start3A = arith.constant 0 : i32
      %dma_start3A_78 = tpu.memref_slice %arg17[%add3A_41, %dma_start3A] : memref<6144x128xf32, #tpu.memory_space<vmem_shared>> -> memref<32x128xf32, #tpu.memory_space<vmem_shared>>
      %dma_start3A_79 = arith.constant 0 : i32
      %dma_start3A_80 = tpu.memref_slice %arg17[%add3A_41, %dma_start3A_79] : memref<6144x128xf32, #tpu.memory_space<vmem_shared>> -> memref<32x128xf32, #tpu.memory_space<vmem_shared>>
      tpu.enqueue_dma source(%arg13 : memref<32x128xf32, #tpu.memory_space<vmem>>) target(%dma_start3A_80 : memref<32x128xf32, #tpu.memory_space<vmem_shared>>) target_semaphore(%run_scoped3A : memref<!tpu.dma_semaphore, #tpu.memory_space<semaphore_mem>>)
      %dma_wait3A = arith.constant 0 : i32
      %dma_wait3A_81 = tpu.memref_slice %arg17[%add3A_41, %dma_wait3A] : memref<6144x128xf32, #tpu.memory_space<vmem_shared>> -> memref<32x128xf32, #tpu.memory_space<vmem_shared>>
      %dma_wait3A_82 = arith.constant 0 : i32
      %dma_wait3A_83 = tpu.memref_slice %arg17[%add3A_41, %dma_wait3A_82] : memref<6144x128xf32, #tpu.memory_space<vmem_shared>> -> memref<32x128xf32, #tpu.memory_space<vmem_shared>>
      tpu.wait_dma2 semaphore(%run_scoped3A : memref<!tpu.dma_semaphore, #tpu.memory_space<semaphore_mem>>) src(%arg13 : memref<32x128xf32, #tpu.memory_space<vmem>>) dst(%dma_wait3A_83 : memref<32x128xf32, #tpu.memory_space<vmem_shared>>)
      tpu.yield
    }) : () -> ()
    "tpu.region"() ({
      %run_scoped3A = tpu.sem_alloc : memref<!tpu.dma_semaphore, #tpu.memory_space<semaphore_mem>>
      %dma_start3A = arith.constant 0 : i32
      %dma_start3A_78 = tpu.memref_slice %arg18[%add3A_41, %dma_start3A] : memref<6144x16xf32, #tpu.memory_space<vmem_shared>> -> memref<32x16xf32, #tpu.memory_space<vmem_shared>>
      %dma_start3A_79 = arith.constant 0 : i32
      %dma_start3A_80 = tpu.memref_slice %arg18[%add3A_41, %dma_start3A_79] : memref<6144x16xf32, #tpu.memory_space<vmem_shared>> -> memref<32x16xf32, #tpu.memory_space<vmem_shared>>
      tpu.enqueue_dma source(%arg16 : memref<32x16xf32, #tpu.memory_space<vmem>>) target(%dma_start3A_80 : memref<32x16xf32, #tpu.memory_space<vmem_shared>>) target_semaphore(%run_scoped3A : memref<!tpu.dma_semaphore, #tpu.memory_space<semaphore_mem>>)
      %dma_wait3A = arith.constant 0 : i32
      %dma_wait3A_81 = tpu.memref_slice %arg18[%add3A_41, %dma_wait3A] : memref<6144x16xf32, #tpu.memory_space<vmem_shared>> -> memref<32x16xf32, #tpu.memory_space<vmem_shared>>
      %dma_wait3A_82 = arith.constant 0 : i32
      %dma_wait3A_83 = tpu.memref_slice %arg18[%add3A_41, %dma_wait3A_82] : memref<6144x16xf32, #tpu.memory_space<vmem_shared>> -> memref<32x16xf32, #tpu.memory_space<vmem_shared>>
      tpu.wait_dma2 semaphore(%run_scoped3A : memref<!tpu.dma_semaphore, #tpu.memory_space<semaphore_mem>>) src(%arg16 : memref<32x16xf32, #tpu.memory_space<vmem>>) dst(%dma_wait3A_83 : memref<32x16xf32, #tpu.memory_space<vmem_shared>>)
      tpu.yield
    }) : () -> ()
    %mul3A_42 = arith.constant 384 : i32
    %mul3A_43 = arith.muli %arg1, %mul3A_42 : i32
    %add3A_44 = arith.constant 288 : i32
    %add3A_45 = arith.addi %mul3A_43, %add3A_44 : i32
    "tpu.region"() ({
      %run_scoped3A = tpu.sem_alloc : memref<!tpu.dma_semaphore, #tpu.memory_space<semaphore_mem>>
      %dma_start3A = arith.constant 0 : i32
      %dma_start3A_78 = tpu.memref_slice %arg17[%add3A_45, %dma_start3A] : memref<6144x128xf32, #tpu.memory_space<vmem_shared>> -> memref<32x128xf32, #tpu.memory_space<vmem_shared>>
      %dma_start3A_79 = arith.constant 0 : i32
      %dma_start3A_80 = tpu.memref_slice %arg17[%add3A_45, %dma_start3A_79] : memref<6144x128xf32, #tpu.memory_space<vmem_shared>> -> memref<32x128xf32, #tpu.memory_space<vmem_shared>>
      tpu.enqueue_dma source(%arg13 : memref<32x128xf32, #tpu.memory_space<vmem>>) target(%dma_start3A_80 : memref<32x128xf32, #tpu.memory_space<vmem_shared>>) target_semaphore(%run_scoped3A : memref<!tpu.dma_semaphore, #tpu.memory_space<semaphore_mem>>)
      %dma_wait3A = arith.constant 0 : i32
      %dma_wait3A_81 = tpu.memref_slice %arg17[%add3A_45, %dma_wait3A] : memref<6144x128xf32, #tpu.memory_space<vmem_shared>> -> memref<32x128xf32, #tpu.memory_space<vmem_shared>>
      %dma_wait3A_82 = arith.constant 0 : i32
      %dma_wait3A_83 = tpu.memref_slice %arg17[%add3A_45, %dma_wait3A_82] : memref<6144x128xf32, #tpu.memory_space<vmem_shared>> -> memref<32x128xf32, #tpu.memory_space<vmem_shared>>
      tpu.wait_dma2 semaphore(%run_scoped3A : memref<!tpu.dma_semaphore, #tpu.memory_space<semaphore_mem>>) src(%arg13 : memref<32x128xf32, #tpu.memory_space<vmem>>) dst(%dma_wait3A_83 : memref<32x128xf32, #tpu.memory_space<vmem_shared>>)
      tpu.yield
    }) : () -> ()
    "tpu.region"() ({
      %run_scoped3A = tpu.sem_alloc : memref<!tpu.dma_semaphore, #tpu.memory_space<semaphore_mem>>
      %dma_start3A = arith.constant 0 : i32
      %dma_start3A_78 = tpu.memref_slice %arg18[%add3A_45, %dma_start3A] : memref<6144x16xf32, #tpu.memory_space<vmem_shared>> -> memref<32x16xf32, #tpu.memory_space<vmem_shared>>
      %dma_start3A_79 = arith.constant 0 : i32
      %dma_start3A_80 = tpu.memref_slice %arg18[%add3A_45, %dma_start3A_79] : memref<6144x16xf32, #tpu.memory_space<vmem_shared>> -> memref<32x16xf32, #tpu.memory_space<vmem_shared>>
      tpu.enqueue_dma source(%arg16 : memref<32x16xf32, #tpu.memory_space<vmem>>) target(%dma_start3A_80 : memref<32x16xf32, #tpu.memory_space<vmem_shared>>) target_semaphore(%run_scoped3A : memref<!tpu.dma_semaphore, #tpu.memory_space<semaphore_mem>>)
      %dma_wait3A = arith.constant 0 : i32
      %dma_wait3A_81 = tpu.memref_slice %arg18[%add3A_45, %dma_wait3A] : memref<6144x16xf32, #tpu.memory_space<vmem_shared>> -> memref<32x16xf32, #tpu.memory_space<vmem_shared>>
      %dma_wait3A_82 = arith.constant 0 : i32
      %dma_wait3A_83 = tpu.memref_slice %arg18[%add3A_45, %dma_wait3A_82] : memref<6144x16xf32, #tpu.memory_space<vmem_shared>> -> memref<32x16xf32, #tpu.memory_space<vmem_shared>>
      tpu.wait_dma2 semaphore(%run_scoped3A : memref<!tpu.dma_semaphore, #tpu.memory_space<semaphore_mem>>) src(%arg16 : memref<32x16xf32, #tpu.memory_space<vmem>>) dst(%dma_wait3A_83 : memref<32x16xf32, #tpu.memory_space<vmem_shared>>)
      tpu.yield
    }) : () -> ()
    %mul3A_46 = arith.constant 384 : i32
    %mul3A_47 = arith.muli %arg1, %mul3A_46 : i32
    %add3A_48 = arith.constant 320 : i32
    %add3A_49 = arith.addi %mul3A_47, %add3A_48 : i32
    "tpu.region"() ({
      %run_scoped3A = tpu.sem_alloc : memref<!tpu.dma_semaphore, #tpu.memory_space<semaphore_mem>>
      %dma_start3A = arith.constant 0 : i32
      %dma_start3A_78 = tpu.memref_slice %arg17[%add3A_49, %dma_start3A] : memref<6144x128xf32, #tpu.memory_space<vmem_shared>> -> memref<32x128xf32, #tpu.memory_space<vmem_shared>>
      %dma_start3A_79 = arith.constant 0 : i32
      %dma_start3A_80 = tpu.memref_slice %arg17[%add3A_49, %dma_start3A_79] : memref<6144x128xf32, #tpu.memory_space<vmem_shared>> -> memref<32x128xf32, #tpu.memory_space<vmem_shared>>
      tpu.enqueue_dma source(%arg13 : memref<32x128xf32, #tpu.memory_space<vmem>>) target(%dma_start3A_80 : memref<32x128xf32, #tpu.memory_space<vmem_shared>>) target_semaphore(%run_scoped3A : memref<!tpu.dma_semaphore, #tpu.memory_space<semaphore_mem>>)
      %dma_wait3A = arith.constant 0 : i32
      %dma_wait3A_81 = tpu.memref_slice %arg17[%add3A_49, %dma_wait3A] : memref<6144x128xf32, #tpu.memory_space<vmem_shared>> -> memref<32x128xf32, #tpu.memory_space<vmem_shared>>
      %dma_wait3A_82 = arith.constant 0 : i32
      %dma_wait3A_83 = tpu.memref_slice %arg17[%add3A_49, %dma_wait3A_82] : memref<6144x128xf32, #tpu.memory_space<vmem_shared>> -> memref<32x128xf32, #tpu.memory_space<vmem_shared>>
      tpu.wait_dma2 semaphore(%run_scoped3A : memref<!tpu.dma_semaphore, #tpu.memory_space<semaphore_mem>>) src(%arg13 : memref<32x128xf32, #tpu.memory_space<vmem>>) dst(%dma_wait3A_83 : memref<32x128xf32, #tpu.memory_space<vmem_shared>>)
      tpu.yield
    }) : () -> ()
    "tpu.region"() ({
      %run_scoped3A = tpu.sem_alloc : memref<!tpu.dma_semaphore, #tpu.memory_space<semaphore_mem>>
      %dma_start3A = arith.constant 0 : i32
      %dma_start3A_78 = tpu.memref_slice %arg18[%add3A_49, %dma_start3A] : memref<6144x16xf32, #tpu.memory_space<vmem_shared>> -> memref<32x16xf32, #tpu.memory_space<vmem_shared>>
      %dma_start3A_79 = arith.constant 0 : i32
      %dma_start3A_80 = tpu.memref_slice %arg18[%add3A_49, %dma_start3A_79] : memref<6144x16xf32, #tpu.memory_space<vmem_shared>> -> memref<32x16xf32, #tpu.memory_space<vmem_shared>>
      tpu.enqueue_dma source(%arg16 : memref<32x16xf32, #tpu.memory_space<vmem>>) target(%dma_start3A_80 : memref<32x16xf32, #tpu.memory_space<vmem_shared>>) target_semaphore(%run_scoped3A : memref<!tpu.dma_semaphore, #tpu.memory_space<semaphore_mem>>)
      %dma_wait3A = arith.constant 0 : i32
      %dma_wait3A_81 = tpu.memref_slice %arg18[%add3A_49, %dma_wait3A] : memref<6144x16xf32, #tpu.memory_space<vmem_shared>> -> memref<32x16xf32, #tpu.memory_space<vmem_shared>>
      %dma_wait3A_82 = arith.constant 0 : i32
      %dma_wait3A_83 = tpu.memref_slice %arg18[%add3A_49, %dma_wait3A_82] : memref<6144x16xf32, #tpu.memory_space<vmem_shared>> -> memref<32x16xf32, #tpu.memory_space<vmem_shared>>
      tpu.wait_dma2 semaphore(%run_scoped3A : memref<!tpu.dma_semaphore, #tpu.memory_space<semaphore_mem>>) src(%arg16 : memref<32x16xf32, #tpu.memory_space<vmem>>) dst(%dma_wait3A_83 : memref<32x16xf32, #tpu.memory_space<vmem_shared>>)
      tpu.yield
    }) : () -> ()
    %mul3A_50 = arith.constant 384 : i32
    %mul3A_51 = arith.muli %arg1, %mul3A_50 : i32
    %add3A_52 = arith.constant 352 : i32
    %add3A_53 = arith.addi %mul3A_51, %add3A_52 : i32
    "tpu.region"() ({
      %run_scoped3A = tpu.sem_alloc : memref<!tpu.dma_semaphore, #tpu.memory_space<semaphore_mem>>
      %dma_start3A = arith.constant 0 : i32
      %dma_start3A_78 = tpu.memref_slice %arg17[%add3A_53, %dma_start3A] : memref<6144x128xf32, #tpu.memory_space<vmem_shared>> -> memref<32x128xf32, #tpu.memory_space<vmem_shared>>
      %dma_start3A_79 = arith.constant 0 : i32
      %dma_start3A_80 = tpu.memref_slice %arg17[%add3A_53, %dma_start3A_79] : memref<6144x128xf32, #tpu.memory_space<vmem_shared>> -> memref<32x128xf32, #tpu.memory_space<vmem_shared>>
      tpu.enqueue_dma source(%arg13 : memref<32x128xf32, #tpu.memory_space<vmem>>) target(%dma_start3A_80 : memref<32x128xf32, #tpu.memory_space<vmem_shared>>) target_semaphore(%run_scoped3A : memref<!tpu.dma_semaphore, #tpu.memory_space<semaphore_mem>>)
      %dma_wait3A = arith.constant 0 : i32
      %dma_wait3A_81 = tpu.memref_slice %arg17[%add3A_53, %dma_wait3A] : memref<6144x128xf32, #tpu.memory_space<vmem_shared>> -> memref<32x128xf32, #tpu.memory_space<vmem_shared>>
      %dma_wait3A_82 = arith.constant 0 : i32
      %dma_wait3A_83 = tpu.memref_slice %arg17[%add3A_53, %dma_wait3A_82] : memref<6144x128xf32, #tpu.memory_space<vmem_shared>> -> memref<32x128xf32, #tpu.memory_space<vmem_shared>>
      tpu.wait_dma2 semaphore(%run_scoped3A : memref<!tpu.dma_semaphore, #tpu.memory_space<semaphore_mem>>) src(%arg13 : memref<32x128xf32, #tpu.memory_space<vmem>>) dst(%dma_wait3A_83 : memref<32x128xf32, #tpu.memory_space<vmem_shared>>)
      tpu.yield
    }) : () -> ()
    "tpu.region"() ({
      %run_scoped3A = tpu.sem_alloc : memref<!tpu.dma_semaphore, #tpu.memory_space<semaphore_mem>>
      %dma_start3A = arith.constant 0 : i32
      %dma_start3A_78 = tpu.memref_slice %arg18[%add3A_53, %dma_start3A] : memref<6144x16xf32, #tpu.memory_space<vmem_shared>> -> memref<32x16xf32, #tpu.memory_space<vmem_shared>>
      %dma_start3A_79 = arith.constant 0 : i32
      %dma_start3A_80 = tpu.memref_slice %arg18[%add3A_53, %dma_start3A_79] : memref<6144x16xf32, #tpu.memory_space<vmem_shared>> -> memref<32x16xf32, #tpu.memory_space<vmem_shared>>
      tpu.enqueue_dma source(%arg16 : memref<32x16xf32, #tpu.memory_space<vmem>>) target(%dma_start3A_80 : memref<32x16xf32, #tpu.memory_space<vmem_shared>>) target_semaphore(%run_scoped3A : memref<!tpu.dma_semaphore, #tpu.memory_space<semaphore_mem>>)
      %dma_wait3A = arith.constant 0 : i32
      %dma_wait3A_81 = tpu.memref_slice %arg18[%add3A_53, %dma_wait3A] : memref<6144x16xf32, #tpu.memory_space<vmem_shared>> -> memref<32x16xf32, #tpu.memory_space<vmem_shared>>
      %dma_wait3A_82 = arith.constant 0 : i32
      %dma_wait3A_83 = tpu.memref_slice %arg18[%add3A_53, %dma_wait3A_82] : memref<6144x16xf32, #tpu.memory_space<vmem_shared>> -> memref<32x16xf32, #tpu.memory_space<vmem_shared>>
      tpu.wait_dma2 semaphore(%run_scoped3A : memref<!tpu.dma_semaphore, #tpu.memory_space<semaphore_mem>>) src(%arg16 : memref<32x16xf32, #tpu.memory_space<vmem>>) dst(%dma_wait3A_83 : memref<32x16xf32, #tpu.memory_space<vmem_shared>>)
      tpu.yield
    }) : () -> ()
    %scan3A_54 = arith.constant 0 : i32
    %scan3A_55 = arith.constant 0 : i32
    %scan3A_56 = arith.constant 32 : i32
    %scan3A_57 = arith.addi %scan3A_55, %scan3A_56 : i32
    %scan3A_58 = arith.constant 1 : i32
    scf.for %scan3A_78 = %scan3A_55 to %scan3A_57 step %scan3A_58  : i32 {
      %swap3A = arith.index_cast %scan3A_78 : i32 to index
      %swap3A_79 = arith.constant 0 : index
      %swap3A_80 = tpu.vector_load %arg16[%swap3A, %swap3A_79] {strides = array<i32>} : memref<32x16xf32, #tpu.memory_space<vmem>>, vector<1x16xf32>,
      %swap3A_81 = vector.shape_cast %swap3A_80 : vector<1x16xf32> to vector<16xf32>
      %swap3A_82 = vector.shape_cast %broadcast_in_dim3A_2 : vector<16xf32> to vector<1x16xf32>
      tpu.vector_store %arg16[%swap3A, %swap3A_79], %swap3A_82 {strides = array<i32>} : memref<32x16xf32, #tpu.memory_space<vmem>>, vector<1x16xf32>,
    }
    %scan3A_59 = arith.constant 32 : i32
    %barrier3A = arith.constant 0 : index
    tpu.barrier barrier_id(%barrier3A)
    %mul3A_60 = arith.constant 20480 : i32
    %mul3A_61 = arith.muli %arg1, %mul3A_60 : i32
    %scan3A_62 = arith.constant 0 : i32
    %scan3A_63 = arith.constant 0 : i32
    %scan3A_64 = arith.constant 640 : i32
    %scan3A_65 = arith.addi %scan3A_63, %scan3A_64 : i32
    %scan3A_66 = arith.constant 1 : i32
    scf.for %scan3A_78 = %scan3A_63 to %scan3A_65 step %scan3A_66  : i32 {
      %mul3A_79 = arith.constant 32 : i32
      %mul3A_80 = arith.muli %scan3A_78, %mul3A_79 : i32
      %add3A_81 = arith.addi %mul3A_61, %mul3A_80 : i32
      "tpu.region"() ({
        %run_scoped3A = tpu.sem_alloc : memref<!tpu.dma_semaphore, #tpu.memory_space<semaphore_mem>>
        %dma_start3A_101 = tpu.memref_slice %arg5[%add3A_81] : memref<327680xi32, #tpu.memory_space<hbm>> -> memref<32xi32, #tpu.memory_space<hbm>>
        %dma_start3A_102 = tpu.memref_slice %arg5[%add3A_81] : memref<327680xi32, #tpu.memory_space<hbm>> -> memref<32xi32, #tpu.memory_space<hbm>>
        tpu.enqueue_dma source(%dma_start3A_102 : memref<32xi32, #tpu.memory_space<hbm>>) target(%arg10 : memref<32xi32, #tpu.memory_space<vmem>>) target_semaphore(%run_scoped3A : memref<!tpu.dma_semaphore, #tpu.memory_space<semaphore_mem>>)
        %dma_wait3A_103 = tpu.memref_slice %arg5[%add3A_81] : memref<327680xi32, #tpu.memory_space<hbm>> -> memref<32xi32, #tpu.memory_space<hbm>>
        %dma_wait3A_104 = tpu.memref_slice %arg5[%add3A_81] : memref<327680xi32, #tpu.memory_space<hbm>> -> memref<32xi32, #tpu.memory_space<hbm>>
        tpu.wait_dma2 semaphore(%run_scoped3A : memref<!tpu.dma_semaphore, #tpu.memory_space<semaphore_mem>>) src(%dma_wait3A_104 : memref<32xi32, #tpu.memory_space<hbm>>) dst(%arg10 : memref<32xi32, #tpu.memory_space<vmem>>)
        tpu.yield
      }) : () -> ()
      "tpu.region"() ({
        %run_scoped3A = tpu.sem_alloc : memref<!tpu.dma_semaphore, #tpu.memory_space<semaphore_mem>>
        %dma_start3A_101 = tpu.memref_slice %arg6[%add3A_81] : memref<327680xi32, #tpu.memory_space<hbm>> -> memref<32xi32, #tpu.memory_space<hbm>>
        %dma_start3A_102 = tpu.memref_slice %arg6[%add3A_81] : memref<327680xi32, #tpu.memory_space<hbm>> -> memref<32xi32, #tpu.memory_space<hbm>>
        tpu.enqueue_dma source(%dma_start3A_102 : memref<32xi32, #tpu.memory_space<hbm>>) target(%arg11 : memref<32xi32, #tpu.memory_space<vmem>>) target_semaphore(%run_scoped3A : memref<!tpu.dma_semaphore, #tpu.memory_space<semaphore_mem>>)
        %dma_wait3A_103 = tpu.memref_slice %arg6[%add3A_81] : memref<327680xi32, #tpu.memory_space<hbm>> -> memref<32xi32, #tpu.memory_space<hbm>>
        %dma_wait3A_104 = tpu.memref_slice %arg6[%add3A_81] : memref<327680xi32, #tpu.memory_space<hbm>> -> memref<32xi32, #tpu.memory_space<hbm>>
        tpu.wait_dma2 semaphore(%run_scoped3A : memref<!tpu.dma_semaphore, #tpu.memory_space<semaphore_mem>>) src(%dma_wait3A_104 : memref<32xi32, #tpu.memory_space<hbm>>) dst(%arg11 : memref<32xi32, #tpu.memory_space<vmem>>)
        tpu.yield
      }) : () -> ()
      %mul3A_82 = arith.constant 327680 : i32
      %mul3A_83 = arith.muli %arg0, %mul3A_82 : i32
      %add3A_84 = arith.addi %mul3A_83, %add3A_81 : i32
      "tpu.region"() ({
        %run_scoped3A = tpu.sem_alloc : memref<!tpu.dma_semaphore, #tpu.memory_space<semaphore_mem>>
        %dma_start3A_101 = tpu.memref_slice %arg7[%add3A_84] : memref<655360xi32, #tpu.memory_space<hbm>> -> memref<32xi32, #tpu.memory_space<hbm>>
        %dma_start3A_102 = tpu.memref_slice %arg7[%add3A_84] : memref<655360xi32, #tpu.memory_space<hbm>> -> memref<32xi32, #tpu.memory_space<hbm>>
        tpu.enqueue_dma source(%dma_start3A_102 : memref<32xi32, #tpu.memory_space<hbm>>) target(%arg12 : memref<32xi32, #tpu.memory_space<vmem>>) target_semaphore(%run_scoped3A : memref<!tpu.dma_semaphore, #tpu.memory_space<semaphore_mem>>)
        %dma_wait3A_103 = tpu.memref_slice %arg7[%add3A_84] : memref<655360xi32, #tpu.memory_space<hbm>> -> memref<32xi32, #tpu.memory_space<hbm>>
        %dma_wait3A_104 = tpu.memref_slice %arg7[%add3A_84] : memref<655360xi32, #tpu.memory_space<hbm>> -> memref<32xi32, #tpu.memory_space<hbm>>
        tpu.wait_dma2 semaphore(%run_scoped3A : memref<!tpu.dma_semaphore, #tpu.memory_space<semaphore_mem>>) src(%dma_wait3A_104 : memref<32xi32, #tpu.memory_space<hbm>>) dst(%arg12 : memref<32xi32, #tpu.memory_space<vmem>>)
        tpu.yield
      }) : () -> ()
      %dma_start3A = arith.constant 0 : i32
      %dma_start3A_85 = arith.constant 0 : i32
      %dma_start3A_86 = tpu.memref_slice %arg2[%dma_start3A, %dma_start3A_85] : memref<10240x128xf32, #tpu.memory_space<hbm>> -> memref<10240x128xf32, #tpu.memory_space<hbm>>
      tpu.enqueue_indirect_dma source(%dma_start3A_86 : memref<10240x128xf32, #tpu.memory_space<hbm>>) target(%arg13 : memref<32x128xf32, #tpu.memory_space<vmem>>) offsets(%arg10 : memref<32xi32, #tpu.memory_space<vmem>>) semaphore(%arg19 : memref<!tpu.dma_semaphore, #tpu.memory_space<semaphore_mem>>)
      %dma_wait3A = arith.constant 0 : i32
      %dma_wait3A_87 = arith.constant 0 : i32
      %dma_wait3A_88 = tpu.memref_slice %arg2[%dma_wait3A, %dma_wait3A_87] : memref<10240x128xf32, #tpu.memory_space<hbm>> -> memref<10240x128xf32, #tpu.memory_space<hbm>>
      tpu.wait_indirect_dma semaphore(%arg19 : memref<!tpu.dma_semaphore, #tpu.memory_space<semaphore_mem>>) src(%dma_wait3A_88 : memref<10240x128xf32, #tpu.memory_space<hbm>>) dst(%arg13 : memref<32x128xf32, #tpu.memory_space<vmem>>)
      %dma_start3A_89 = arith.constant 0 : i32
      %dma_start3A_90 = arith.constant 0 : i32
      %dma_start3A_91 = tpu.memref_slice %arg3[%dma_start3A_89, %dma_start3A_90] : memref<10240x128xf32, #tpu.memory_space<hbm>> -> memref<10240x128xf32, #tpu.memory_space<hbm>>
      tpu.enqueue_indirect_dma source(%dma_start3A_91 : memref<10240x128xf32, #tpu.memory_space<hbm>>) target(%arg14 : memref<32x128xf32, #tpu.memory_space<vmem>>) offsets(%arg11 : memref<32xi32, #tpu.memory_space<vmem>>) semaphore(%arg19 : memref<!tpu.dma_semaphore, #tpu.memory_space<semaphore_mem>>)
      %dma_wait3A_92 = arith.constant 0 : i32
      %dma_wait3A_93 = arith.constant 0 : i32
      %dma_wait3A_94 = tpu.memref_slice %arg3[%dma_wait3A_92, %dma_wait3A_93] : memref<10240x128xf32, #tpu.memory_space<hbm>> -> memref<10240x128xf32, #tpu.memory_space<hbm>>
      tpu.wait_indirect_dma semaphore(%arg19 : memref<!tpu.dma_semaphore, #tpu.memory_space<semaphore_mem>>) src(%dma_wait3A_94 : memref<10240x128xf32, #tpu.memory_space<hbm>>) dst(%arg14 : memref<32x128xf32, #tpu.memory_space<vmem>>)
      "tpu.region"() ({
        %run_scoped3A = tpu.sem_alloc : memref<!tpu.dma_semaphore, #tpu.memory_space<semaphore_mem>>
        %dma_start3A_101 = arith.constant 0 : i32
        %dma_start3A_102 = tpu.memref_slice %arg4[%add3A_81, %dma_start3A_101] : memref<327680x128xf32, #tpu.memory_space<hbm>> -> memref<32x128xf32, #tpu.memory_space<hbm>>
        %dma_start3A_103 = arith.constant 0 : i32
        %dma_start3A_104 = tpu.memref_slice %arg4[%add3A_81, %dma_start3A_103] : memref<327680x128xf32, #tpu.memory_space<hbm>> -> memref<32x128xf32, #tpu.memory_space<hbm>>
        tpu.enqueue_dma source(%dma_start3A_104 : memref<32x128xf32, #tpu.memory_space<hbm>>) target(%arg15 : memref<32x128xf32, #tpu.memory_space<vmem>>) target_semaphore(%run_scoped3A : memref<!tpu.dma_semaphore, #tpu.memory_space<semaphore_mem>>)
        %dma_wait3A_105 = arith.constant 0 : i32
        %dma_wait3A_106 = tpu.memref_slice %arg4[%add3A_81, %dma_wait3A_105] : memref<327680x128xf32, #tpu.memory_space<hbm>> -> memref<32x128xf32, #tpu.memory_space<hbm>>
        %dma_wait3A_107 = arith.constant 0 : i32
        %dma_wait3A_108 = tpu.memref_slice %arg4[%add3A_81, %dma_wait3A_107] : memref<327680x128xf32, #tpu.memory_space<hbm>> -> memref<32x128xf32, #tpu.memory_space<hbm>>
        tpu.wait_dma2 semaphore(%run_scoped3A : memref<!tpu.dma_semaphore, #tpu.memory_space<semaphore_mem>>) src(%dma_wait3A_108 : memref<32x128xf32, #tpu.memory_space<hbm>>) dst(%arg15 : memref<32x128xf32, #tpu.memory_space<vmem>>)
        tpu.yield
      }) : () -> ()
      %scan3A_95 = arith.constant 0 : i32
      %scan3A_96 = arith.constant 0 : i32
      %scan3A_97 = arith.constant 32 : i32
      %scan3A_98 = arith.addi %scan3A_96, %scan3A_97 : i32
      %scan3A_99 = arith.constant 1 : i32
      scf.for %scan3A_101 = %scan3A_96 to %scan3A_98 step %scan3A_99  : i32 {
        %get3A = arith.index_cast %scan3A_101 : i32 to index
        %get3A_102 = arith.constant 0 : index
        %get3A_103 = tpu.vector_load %arg13[%get3A, %get3A_102] {strides = array<i32>} : memref<32x128xf32, #tpu.memory_space<vmem>>, vector<1x16xf32>,
        %get3A_104 = vector.shape_cast %get3A_103 : vector<1x16xf32> to vector<16xf32>
        %get3A_105 = arith.index_cast %scan3A_101 : i32 to index
        %get3A_106 = arith.constant 0 : index
        %get3A_107 = tpu.vector_load %arg14[%get3A_105, %get3A_106] {strides = array<i32>} : memref<32x128xf32, #tpu.memory_space<vmem>>, vector<1x16xf32>,
        %get3A_108 = vector.shape_cast %get3A_107 : vector<1x16xf32> to vector<16xf32>
        %add3A_109 = arith.addf %get3A_104, %get3A_108 : vector<16xf32>
        %get3A_110 = arith.index_cast %scan3A_101 : i32 to index
        %get3A_111 = arith.constant 0 : index
        %get3A_112 = tpu.vector_load %arg15[%get3A_110, %get3A_111] {strides = array<i32>} : memref<32x128xf32, #tpu.memory_space<vmem>>, vector<1x16xf32>,
        %get3A_113 = vector.shape_cast %get3A_112 : vector<1x16xf32> to vector<16xf32>
        %add3A_114 = arith.addf %add3A_109, %get3A_113 : vector<16xf32>
        %max3A = arith.constant 0.000000e+00 : f32
        %max3A_115 = vector.broadcast %max3A : f32 to vector<16xf32>
        %max3A_116 = arith.maximumf %add3A_114, %max3A_115 : vector<16xf32>
        %swap3A = arith.index_cast %scan3A_101 : i32 to index
        %swap3A_117 = arith.constant 0 : index
        %swap3A_118 = tpu.vector_load %arg15[%swap3A, %swap3A_117] {strides = array<i32>} : memref<32x128xf32, #tpu.memory_space<vmem>>, vector<1x16xf32>,
        %swap3A_119 = vector.shape_cast %swap3A_118 : vector<1x16xf32> to vector<16xf32>
        %swap3A_120 = vector.shape_cast %max3A_116 : vector<16xf32> to vector<1x16xf32>
        tpu.vector_store %arg15[%swap3A, %swap3A_117], %swap3A_120 {strides = array<i32>} : memref<32x128xf32, #tpu.memory_space<vmem>>, vector<1x16xf32>,
        %get3A_121 = arith.index_cast %scan3A_101 : i32 to index
        %get3A_122 = arith.constant 16 : index
        %get3A_123 = tpu.vector_load %arg13[%get3A_121, %get3A_122] {strides = array<i32>} : memref<32x128xf32, #tpu.memory_space<vmem>>, vector<1x16xf32>,
        %get3A_124 = vector.shape_cast %get3A_123 : vector<1x16xf32> to vector<16xf32>
        %get3A_125 = arith.index_cast %scan3A_101 : i32 to index
        %get3A_126 = arith.constant 16 : index
        %get3A_127 = tpu.vector_load %arg14[%get3A_125, %get3A_126] {strides = array<i32>} : memref<32x128xf32, #tpu.memory_space<vmem>>, vector<1x16xf32>,
        %get3A_128 = vector.shape_cast %get3A_127 : vector<1x16xf32> to vector<16xf32>
        %add3A_129 = arith.addf %get3A_124, %get3A_128 : vector<16xf32>
        %get3A_130 = arith.index_cast %scan3A_101 : i32 to index
        %get3A_131 = arith.constant 16 : index
        %get3A_132 = tpu.vector_load %arg15[%get3A_130, %get3A_131] {strides = array<i32>} : memref<32x128xf32, #tpu.memory_space<vmem>>, vector<1x16xf32>,
        %get3A_133 = vector.shape_cast %get3A_132 : vector<1x16xf32> to vector<16xf32>
        %add3A_134 = arith.addf %add3A_129, %get3A_133 : vector<16xf32>
        %max3A_135 = arith.constant 0.000000e+00 : f32
        %max3A_136 = vector.broadcast %max3A_135 : f32 to vector<16xf32>
        %max3A_137 = arith.maximumf %add3A_134, %max3A_136 : vector<16xf32>
        %swap3A_138 = arith.index_cast %scan3A_101 : i32 to index
        %swap3A_139 = arith.constant 16 : index
        %swap3A_140 = tpu.vector_load %arg15[%swap3A_138, %swap3A_139] {strides = array<i32>} : memref<32x128xf32, #tpu.memory_space<vmem>>, vector<1x16xf32>,
        %swap3A_141 = vector.shape_cast %swap3A_140 : vector<1x16xf32> to vector<16xf32>
        %swap3A_142 = vector.shape_cast %max3A_137 : vector<16xf32> to vector<1x16xf32>
        tpu.vector_store %arg15[%swap3A_138, %swap3A_139], %swap3A_142 {strides = array<i32>} : memref<32x128xf32, #tpu.memory_space<vmem>>, vector<1x16xf32>,
        %get3A_143 = arith.index_cast %scan3A_101 : i32 to index
        %get3A_144 = arith.constant 32 : index
        %get3A_145 = tpu.vector_load %arg13[%get3A_143, %get3A_144] {strides = array<i32>} : memref<32x128xf32, #tpu.memory_space<vmem>>, vector<1x16xf32>,
        %get3A_146 = vector.shape_cast %get3A_145 : vector<1x16xf32> to vector<16xf32>
        %get3A_147 = arith.index_cast %scan3A_101 : i32 to index
        %get3A_148 = arith.constant 32 : index
        %get3A_149 = tpu.vector_load %arg14[%get3A_147, %get3A_148] {strides = array<i32>} : memref<32x128xf32, #tpu.memory_space<vmem>>, vector<1x16xf32>,
        %get3A_150 = vector.shape_cast %get3A_149 : vector<1x16xf32> to vector<16xf32>
        %add3A_151 = arith.addf %get3A_146, %get3A_150 : vector<16xf32>
        %get3A_152 = arith.index_cast %scan3A_101 : i32 to index
        %get3A_153 = arith.constant 32 : index
        %get3A_154 = tpu.vector_load %arg15[%get3A_152, %get3A_153] {strides = array<i32>} : memref<32x128xf32, #tpu.memory_space<vmem>>, vector<1x16xf32>,
        %get3A_155 = vector.shape_cast %get3A_154 : vector<1x16xf32> to vector<16xf32>
        %add3A_156 = arith.addf %add3A_151, %get3A_155 : vector<16xf32>
        %max3A_157 = arith.constant 0.000000e+00 : f32
        %max3A_158 = vector.broadcast %max3A_157 : f32 to vector<16xf32>
        %max3A_159 = arith.maximumf %add3A_156, %max3A_158 : vector<16xf32>
        %swap3A_160 = arith.index_cast %scan3A_101 : i32 to index
        %swap3A_161 = arith.constant 32 : index
        %swap3A_162 = tpu.vector_load %arg15[%swap3A_160, %swap3A_161] {strides = array<i32>} : memref<32x128xf32, #tpu.memory_space<vmem>>, vector<1x16xf32>,
        %swap3A_163 = vector.shape_cast %swap3A_162 : vector<1x16xf32> to vector<16xf32>
        %swap3A_164 = vector.shape_cast %max3A_159 : vector<16xf32> to vector<1x16xf32>
        tpu.vector_store %arg15[%swap3A_160, %swap3A_161], %swap3A_164 {strides = array<i32>} : memref<32x128xf32, #tpu.memory_space<vmem>>, vector<1x16xf32>,
        %get3A_165 = arith.index_cast %scan3A_101 : i32 to index
        %get3A_166 = arith.constant 48 : index
        %get3A_167 = tpu.vector_load %arg13[%get3A_165, %get3A_166] {strides = array<i32>} : memref<32x128xf32, #tpu.memory_space<vmem>>, vector<1x16xf32>,
        %get3A_168 = vector.shape_cast %get3A_167 : vector<1x16xf32> to vector<16xf32>
        %get3A_169 = arith.index_cast %scan3A_101 : i32 to index
        %get3A_170 = arith.constant 48 : index
        %get3A_171 = tpu.vector_load %arg14[%get3A_169, %get3A_170] {strides = array<i32>} : memref<32x128xf32, #tpu.memory_space<vmem>>, vector<1x16xf32>,
        %get3A_172 = vector.shape_cast %get3A_171 : vector<1x16xf32> to vector<16xf32>
        %add3A_173 = arith.addf %get3A_168, %get3A_172 : vector<16xf32>
        %get3A_174 = arith.index_cast %scan3A_101 : i32 to index
        %get3A_175 = arith.constant 48 : index
        %get3A_176 = tpu.vector_load %arg15[%get3A_174, %get3A_175] {strides = array<i32>} : memref<32x128xf32, #tpu.memory_space<vmem>>, vector<1x16xf32>,
        %get3A_177 = vector.shape_cast %get3A_176 : vector<1x16xf32> to vector<16xf32>
        %add3A_178 = arith.addf %add3A_173, %get3A_177 : vector<16xf32>
        %max3A_179 = arith.constant 0.000000e+00 : f32
        %max3A_180 = vector.broadcast %max3A_179 : f32 to vector<16xf32>
        %max3A_181 = arith.maximumf %add3A_178, %max3A_180 : vector<16xf32>
        %swap3A_182 = arith.index_cast %scan3A_101 : i32 to index
        %swap3A_183 = arith.constant 48 : index
        %swap3A_184 = tpu.vector_load %arg15[%swap3A_182, %swap3A_183] {strides = array<i32>} : memref<32x128xf32, #tpu.memory_space<vmem>>, vector<1x16xf32>,
        %swap3A_185 = vector.shape_cast %swap3A_184 : vector<1x16xf32> to vector<16xf32>
        %swap3A_186 = vector.shape_cast %max3A_181 : vector<16xf32> to vector<1x16xf32>
        tpu.vector_store %arg15[%swap3A_182, %swap3A_183], %swap3A_186 {strides = array<i32>} : memref<32x128xf32, #tpu.memory_space<vmem>>, vector<1x16xf32>,
        %get3A_187 = arith.index_cast %scan3A_101 : i32 to index
        %get3A_188 = arith.constant 64 : index
        %get3A_189 = tpu.vector_load %arg13[%get3A_187, %get3A_188] {strides = array<i32>} : memref<32x128xf32, #tpu.memory_space<vmem>>, vector<1x16xf32>,
        %get3A_190 = vector.shape_cast %get3A_189 : vector<1x16xf32> to vector<16xf32>
        %get3A_191 = arith.index_cast %scan3A_101 : i32 to index
        %get3A_192 = arith.constant 64 : index
        %get3A_193 = tpu.vector_load %arg14[%get3A_191, %get3A_192] {strides = array<i32>} : memref<32x128xf32, #tpu.memory_space<vmem>>, vector<1x16xf32>,
        %get3A_194 = vector.shape_cast %get3A_193 : vector<1x16xf32> to vector<16xf32>
        %add3A_195 = arith.addf %get3A_190, %get3A_194 : vector<16xf32>
        %get3A_196 = arith.index_cast %scan3A_101 : i32 to index
        %get3A_197 = arith.constant 64 : index
        %get3A_198 = tpu.vector_load %arg15[%get3A_196, %get3A_197] {strides = array<i32>} : memref<32x128xf32, #tpu.memory_space<vmem>>, vector<1x16xf32>,
        %get3A_199 = vector.shape_cast %get3A_198 : vector<1x16xf32> to vector<16xf32>
        %add3A_200 = arith.addf %add3A_195, %get3A_199 : vector<16xf32>
        %max3A_201 = arith.constant 0.000000e+00 : f32
        %max3A_202 = vector.broadcast %max3A_201 : f32 to vector<16xf32>
        %max3A_203 = arith.maximumf %add3A_200, %max3A_202 : vector<16xf32>
        %swap3A_204 = arith.index_cast %scan3A_101 : i32 to index
        %swap3A_205 = arith.constant 64 : index
        %swap3A_206 = tpu.vector_load %arg15[%swap3A_204, %swap3A_205] {strides = array<i32>} : memref<32x128xf32, #tpu.memory_space<vmem>>, vector<1x16xf32>,
        %swap3A_207 = vector.shape_cast %swap3A_206 : vector<1x16xf32> to vector<16xf32>
        %swap3A_208 = vector.shape_cast %max3A_203 : vector<16xf32> to vector<1x16xf32>
        tpu.vector_store %arg15[%swap3A_204, %swap3A_205], %swap3A_208 {strides = array<i32>} : memref<32x128xf32, #tpu.memory_space<vmem>>, vector<1x16xf32>,
        %get3A_209 = arith.index_cast %scan3A_101 : i32 to index
        %get3A_210 = arith.constant 80 : index
        %get3A_211 = tpu.vector_load %arg13[%get3A_209, %get3A_210] {strides = array<i32>} : memref<32x128xf32, #tpu.memory_space<vmem>>, vector<1x16xf32>,
        %get3A_212 = vector.shape_cast %get3A_211 : vector<1x16xf32> to vector<16xf32>
        %get3A_213 = arith.index_cast %scan3A_101 : i32 to index
        %get3A_214 = arith.constant 80 : index
        %get3A_215 = tpu.vector_load %arg14[%get3A_213, %get3A_214] {strides = array<i32>} : memref<32x128xf32, #tpu.memory_space<vmem>>, vector<1x16xf32>,
        %get3A_216 = vector.shape_cast %get3A_215 : vector<1x16xf32> to vector<16xf32>
        %add3A_217 = arith.addf %get3A_212, %get3A_216 : vector<16xf32>
        %get3A_218 = arith.index_cast %scan3A_101 : i32 to index
        %get3A_219 = arith.constant 80 : index
        %get3A_220 = tpu.vector_load %arg15[%get3A_218, %get3A_219] {strides = array<i32>} : memref<32x128xf32, #tpu.memory_space<vmem>>, vector<1x16xf32>,
        %get3A_221 = vector.shape_cast %get3A_220 : vector<1x16xf32> to vector<16xf32>
        %add3A_222 = arith.addf %add3A_217, %get3A_221 : vector<16xf32>
        %max3A_223 = arith.constant 0.000000e+00 : f32
        %max3A_224 = vector.broadcast %max3A_223 : f32 to vector<16xf32>
        %max3A_225 = arith.maximumf %add3A_222, %max3A_224 : vector<16xf32>
        %swap3A_226 = arith.index_cast %scan3A_101 : i32 to index
        %swap3A_227 = arith.constant 80 : index
        %swap3A_228 = tpu.vector_load %arg15[%swap3A_226, %swap3A_227] {strides = array<i32>} : memref<32x128xf32, #tpu.memory_space<vmem>>, vector<1x16xf32>,
        %swap3A_229 = vector.shape_cast %swap3A_228 : vector<1x16xf32> to vector<16xf32>
        %swap3A_230 = vector.shape_cast %max3A_225 : vector<16xf32> to vector<1x16xf32>
        tpu.vector_store %arg15[%swap3A_226, %swap3A_227], %swap3A_230 {strides = array<i32>} : memref<32x128xf32, #tpu.memory_space<vmem>>, vector<1x16xf32>,
        %get3A_231 = arith.index_cast %scan3A_101 : i32 to index
        %get3A_232 = arith.constant 96 : index
        %get3A_233 = tpu.vector_load %arg13[%get3A_231, %get3A_232] {strides = array<i32>} : memref<32x128xf32, #tpu.memory_space<vmem>>, vector<1x16xf32>,
        %get3A_234 = vector.shape_cast %get3A_233 : vector<1x16xf32> to vector<16xf32>
        %get3A_235 = arith.index_cast %scan3A_101 : i32 to index
        %get3A_236 = arith.constant 96 : index
        %get3A_237 = tpu.vector_load %arg14[%get3A_235, %get3A_236] {strides = array<i32>} : memref<32x128xf32, #tpu.memory_space<vmem>>, vector<1x16xf32>,
        %get3A_238 = vector.shape_cast %get3A_237 : vector<1x16xf32> to vector<16xf32>
        %add3A_239 = arith.addf %get3A_234, %get3A_238 : vector<16xf32>
        %get3A_240 = arith.index_cast %scan3A_101 : i32 to index
        %get3A_241 = arith.constant 96 : index
        %get3A_242 = tpu.vector_load %arg15[%get3A_240, %get3A_241] {strides = array<i32>} : memref<32x128xf32, #tpu.memory_space<vmem>>, vector<1x16xf32>,
        %get3A_243 = vector.shape_cast %get3A_242 : vector<1x16xf32> to vector<16xf32>
        %add3A_244 = arith.addf %add3A_239, %get3A_243 : vector<16xf32>
        %max3A_245 = arith.constant 0.000000e+00 : f32
        %max3A_246 = vector.broadcast %max3A_245 : f32 to vector<16xf32>
        %max3A_247 = arith.maximumf %add3A_244, %max3A_246 : vector<16xf32>
        %swap3A_248 = arith.index_cast %scan3A_101 : i32 to index
        %swap3A_249 = arith.constant 96 : index
        %swap3A_250 = tpu.vector_load %arg15[%swap3A_248, %swap3A_249] {strides = array<i32>} : memref<32x128xf32, #tpu.memory_space<vmem>>, vector<1x16xf32>,
        %swap3A_251 = vector.shape_cast %swap3A_250 : vector<1x16xf32> to vector<16xf32>
        %swap3A_252 = vector.shape_cast %max3A_247 : vector<16xf32> to vector<1x16xf32>
        tpu.vector_store %arg15[%swap3A_248, %swap3A_249], %swap3A_252 {strides = array<i32>} : memref<32x128xf32, #tpu.memory_space<vmem>>, vector<1x16xf32>,
        %get3A_253 = arith.index_cast %scan3A_101 : i32 to index
        %get3A_254 = arith.constant 112 : index
        %get3A_255 = tpu.vector_load %arg13[%get3A_253, %get3A_254] {strides = array<i32>} : memref<32x128xf32, #tpu.memory_space<vmem>>, vector<1x16xf32>,
        %get3A_256 = vector.shape_cast %get3A_255 : vector<1x16xf32> to vector<16xf32>
        %get3A_257 = arith.index_cast %scan3A_101 : i32 to index
        %get3A_258 = arith.constant 112 : index
        %get3A_259 = tpu.vector_load %arg14[%get3A_257, %get3A_258] {strides = array<i32>} : memref<32x128xf32, #tpu.memory_space<vmem>>, vector<1x16xf32>,
        %get3A_260 = vector.shape_cast %get3A_259 : vector<1x16xf32> to vector<16xf32>
        %add3A_261 = arith.addf %get3A_256, %get3A_260 : vector<16xf32>
        %get3A_262 = arith.index_cast %scan3A_101 : i32 to index
        %get3A_263 = arith.constant 112 : index
        %get3A_264 = tpu.vector_load %arg15[%get3A_262, %get3A_263] {strides = array<i32>} : memref<32x128xf32, #tpu.memory_space<vmem>>, vector<1x16xf32>,
        %get3A_265 = vector.shape_cast %get3A_264 : vector<1x16xf32> to vector<16xf32>
        %add3A_266 = arith.addf %add3A_261, %get3A_265 : vector<16xf32>
        %max3A_267 = arith.constant 0.000000e+00 : f32
        %max3A_268 = vector.broadcast %max3A_267 : f32 to vector<16xf32>
        %max3A_269 = arith.maximumf %add3A_266, %max3A_268 : vector<16xf32>
        %swap3A_270 = arith.index_cast %scan3A_101 : i32 to index
        %swap3A_271 = arith.constant 112 : index
        %swap3A_272 = tpu.vector_load %arg15[%swap3A_270, %swap3A_271] {strides = array<i32>} : memref<32x128xf32, #tpu.memory_space<vmem>>, vector<1x16xf32>,
        %swap3A_273 = vector.shape_cast %swap3A_272 : vector<1x16xf32> to vector<16xf32>
        %swap3A_274 = vector.shape_cast %max3A_269 : vector<16xf32> to vector<1x16xf32>
        tpu.vector_store %arg15[%swap3A_270, %swap3A_271], %swap3A_274 {strides = array<i32>} : memref<32x128xf32, #tpu.memory_space<vmem>>, vector<1x16xf32>,
      }
      %scan3A_100 = arith.constant 32 : i32
      "tpu.region"() ({
        %run_scoped3A = tpu.sem_alloc : memref<!tpu.dma_semaphore, #tpu.memory_space<semaphore_mem>>
        %dma_start3A_101 = arith.constant 0 : i32
        %dma_start3A_102 = arith.constant 0 : i32
        %dma_start3A_103 = tpu.memref_slice %arg17[%dma_start3A_101, %dma_start3A_102] : memref<6144x128xf32, #tpu.memory_space<vmem_shared>> -> memref<6144x128xf32, #tpu.memory_space<vmem_shared>>
        tpu.enqueue_indirect_dma source(%arg15 : memref<32x128xf32, #tpu.memory_space<vmem>>) target(%dma_start3A_103 : memref<6144x128xf32, #tpu.memory_space<vmem_shared>>) offsets(%arg12 : memref<32xi32, #tpu.memory_space<vmem>>) semaphore(%run_scoped3A : memref<!tpu.dma_semaphore, #tpu.memory_space<semaphore_mem>>) {add = true}
        %dma_wait3A_104 = arith.constant 0 : i32
        %dma_wait3A_105 = arith.constant 0 : i32
        %dma_wait3A_106 = tpu.memref_slice %arg17[%dma_wait3A_104, %dma_wait3A_105] : memref<6144x128xf32, #tpu.memory_space<vmem_shared>> -> memref<6144x128xf32, #tpu.memory_space<vmem_shared>>
        tpu.wait_indirect_dma semaphore(%run_scoped3A : memref<!tpu.dma_semaphore, #tpu.memory_space<semaphore_mem>>) src(%arg15 : memref<32x128xf32, #tpu.memory_space<vmem>>) dst(%dma_wait3A_106 : memref<6144x128xf32, #tpu.memory_space<vmem_shared>>)
        tpu.yield
      }) : () -> ()
      "tpu.region"() ({
        %run_scoped3A = tpu.sem_alloc : memref<!tpu.dma_semaphore, #tpu.memory_space<semaphore_mem>>
        %dma_start3A_101 = arith.constant 0 : i32
        %dma_start3A_102 = arith.constant 0 : i32
        %dma_start3A_103 = tpu.memref_slice %arg18[%dma_start3A_101, %dma_start3A_102] : memref<6144x16xf32, #tpu.memory_space<vmem_shared>> -> memref<6144x16xf32, #tpu.memory_space<vmem_shared>>
        tpu.enqueue_indirect_dma source(%arg16 : memref<32x16xf32, #tpu.memory_space<vmem>>) target(%dma_start3A_103 : memref<6144x16xf32, #tpu.memory_space<vmem_shared>>) offsets(%arg12 : memref<32xi32, #tpu.memory_space<vmem>>) semaphore(%run_scoped3A : memref<!tpu.dma_semaphore, #tpu.memory_space<semaphore_mem>>) {add = true}
        %dma_wait3A_104 = arith.constant 0 : i32
        %dma_wait3A_105 = arith.constant 0 : i32
        %dma_wait3A_106 = tpu.memref_slice %arg18[%dma_wait3A_104, %dma_wait3A_105] : memref<6144x16xf32, #tpu.memory_space<vmem_shared>> -> memref<6144x16xf32, #tpu.memory_space<vmem_shared>>
        tpu.wait_indirect_dma semaphore(%run_scoped3A : memref<!tpu.dma_semaphore, #tpu.memory_space<semaphore_mem>>) src(%arg16 : memref<32x16xf32, #tpu.memory_space<vmem>>) dst(%dma_wait3A_106 : memref<6144x16xf32, #tpu.memory_space<vmem_shared>>)
        tpu.yield
      }) : () -> ()
    }
    %scan3A_67 = arith.constant 640 : i32
    %barrier3A_68 = arith.constant 0 : index
    tpu.barrier barrier_id(%barrier3A_68)
    %mul3A_69 = arith.constant 6144 : i32
    %mul3A_70 = arith.muli %arg0, %mul3A_69 : i32
    %mul3A_71 = arith.constant 384 : i32
    %mul3A_72 = arith.muli %arg1, %mul3A_71 : i32
    %add3A_73 = arith.addi %mul3A_70, %mul3A_72 : i32
    %mul3A_74 = arith.constant 384 : i32
    %mul3A_75 = arith.muli %arg1, %mul3A_74 : i32
    "tpu.region"() ({
      %run_scoped3A = tpu.sem_alloc : memref<!tpu.dma_semaphore, #tpu.memory_space<semaphore_mem>>
      %dma_start3A = arith.constant 0 : i32
      %dma_start3A_78 = tpu.memref_slice %arg8[%add3A_73, %dma_start3A] : memref<12288x128xf32, #tpu.memory_space<hbm>> -> memref<384x128xf32, #tpu.memory_space<hbm>>
      %dma_start3A_79 = arith.constant 0 : i32
      %dma_start3A_80 = tpu.memref_slice %arg17[%mul3A_75, %dma_start3A_79] : memref<6144x128xf32, #tpu.memory_space<vmem_shared>> -> memref<384x128xf32, #tpu.memory_space<vmem_shared>>
      tpu.enqueue_dma source(%dma_start3A_80 : memref<384x128xf32, #tpu.memory_space<vmem_shared>>) target(%dma_start3A_78 : memref<384x128xf32, #tpu.memory_space<hbm>>) target_semaphore(%run_scoped3A : memref<!tpu.dma_semaphore, #tpu.memory_space<semaphore_mem>>)
      %dma_wait3A = arith.constant 0 : i32
      %dma_wait3A_81 = tpu.memref_slice %arg8[%add3A_73, %dma_wait3A] : memref<12288x128xf32, #tpu.memory_space<hbm>> -> memref<384x128xf32, #tpu.memory_space<hbm>>
      %dma_wait3A_82 = arith.constant 0 : i32
      %dma_wait3A_83 = tpu.memref_slice %arg17[%mul3A_75, %dma_wait3A_82] : memref<6144x128xf32, #tpu.memory_space<vmem_shared>> -> memref<384x128xf32, #tpu.memory_space<vmem_shared>>
      tpu.wait_dma2 semaphore(%run_scoped3A : memref<!tpu.dma_semaphore, #tpu.memory_space<semaphore_mem>>) src(%dma_wait3A_83 : memref<384x128xf32, #tpu.memory_space<vmem_shared>>) dst(%dma_wait3A_81 : memref<384x128xf32, #tpu.memory_space<hbm>>)
      tpu.yield
    }) : () -> ()
    %mul3A_76 = arith.constant 384 : i32
    %mul3A_77 = arith.muli %arg1, %mul3A_76 : i32
    "tpu.region"() ({
      %run_scoped3A = tpu.sem_alloc : memref<!tpu.dma_semaphore, #tpu.memory_space<semaphore_mem>>
      %dma_start3A = arith.constant 0 : i32
      %dma_start3A_78 = tpu.memref_slice %arg9[%add3A_73, %dma_start3A] : memref<12288x16xf32, #tpu.memory_space<hbm>> -> memref<384x16xf32, #tpu.memory_space<hbm>>
      %dma_start3A_79 = arith.constant 0 : i32
      %dma_start3A_80 = tpu.memref_slice %arg18[%mul3A_77, %dma_start3A_79] : memref<6144x16xf32, #tpu.memory_space<vmem_shared>> -> memref<384x16xf32, #tpu.memory_space<vmem_shared>>
      tpu.enqueue_dma source(%dma_start3A_80 : memref<384x16xf32, #tpu.memory_space<vmem_shared>>) target(%dma_start3A_78 : memref<384x16xf32, #tpu.memory_space<hbm>>) target_semaphore(%run_scoped3A : memref<!tpu.dma_semaphore, #tpu.memory_space<semaphore_mem>>)
      %dma_wait3A = arith.constant 0 : i32
      %dma_wait3A_81 = tpu.memref_slice %arg9[%add3A_73, %dma_wait3A] : memref<12288x16xf32, #tpu.memory_space<hbm>> -> memref<384x16xf32, #tpu.memory_space<hbm>>
      %dma_wait3A_82 = arith.constant 0 : i32
      %dma_wait3A_83 = tpu.memref_slice %arg18[%mul3A_77, %dma_wait3A_82] : memref<6144x16xf32, #tpu.memory_space<vmem_shared>> -> memref<384x16xf32, #tpu.memory_space<vmem_shared>>
      tpu.wait_dma2 semaphore(%run_scoped3A : memref<!tpu.dma_semaphore, #tpu.memory_space<semaphore_mem>>) src(%dma_wait3A_83 : memref<384x16xf32, #tpu.memory_space<vmem_shared>>) dst(%dma_wait3A_81 : memref<384x16xf32, #tpu.memory_space<hbm>>)
      tpu.yield
    }) : () -> ()
    return
  }
}

module attributes {stable_mosaic.version = 14 : i64} {
  func.func @_edge_pre_body(%arg0: i32, %arg1: memref<2048x16xf32, #tpu.memory_space<vmem>>, %arg2: memref<16x128xf32, #tpu.memory_space<vmem>>, %arg3: memref<1x128xf32, #tpu.memory_space<vmem>>, %arg4: memref<2048x128xf32, #tpu.memory_space<vmem>>) attributes {dimension_semantics = [#tpu.dimension_semantics<arbitrary>], iteration_bounds = array<i64: 160>, scalar_prefetch = 0 : i64, scratch_operands = 0 : i64, tpu.core_type = #tpu.core_type<tc>, window_params = [{transform_indices = @transform_0, window_bounds = array<i64: 2048, 16>}, {pipeline_mode = #tpu.pipeline_mode<synchronous>, transform_indices = @transform_1, window_bounds = array<i64: 16, 128>}, {pipeline_mode = #tpu.pipeline_mode<synchronous>, transform_indices = @transform_2, window_bounds = array<i64: 1, 128>}, {transform_indices = @transform_3, window_bounds = array<i64: 2048, 128>}]} {
    %get3A = arith.constant 0 : index
    %get3A_0 = arith.constant 0 : index
    %get3A_1 = vector.load %arg1[%get3A, %get3A_0] : memref<2048x16xf32, #tpu.memory_space<vmem>>, vector<2048x16xf32>
    %get3A_2 = arith.constant 0 : index
    %get3A_3 = arith.constant 0 : index
    %get3A_4 = vector.load %arg2[%get3A_2, %get3A_3] : memref<16x128xf32, #tpu.memory_space<vmem>>, vector<16x128xf32>
    %dot_general3A = arith.constant dense<0.000000e+00> : vector<2048x128xf32>
    %dot_general3A_5 = tpu.matmul %get3A_1, %get3A_4, %dot_general3A {dimension_numbers = #tpu.dot_dimension_numbers<[1], [0], [0], [1], [0, 0, 1, 1], [], []>, precision = #tpu.contract_precision<fp32>, transpose_lhs_hint = false} : vector<2048x16xf32>, vector<16x128xf32>, vector<2048x128xf32> -> vector<2048x128xf32>
    %get3A_6 = arith.constant 0 : index
    %get3A_7 = arith.constant 0 : index
    %get3A_8 = vector.load %arg3[%get3A_6, %get3A_7] : memref<1x128xf32, #tpu.memory_space<vmem>>, vector<1x128xf32>
    %add3A = vector.broadcast %get3A_8 : vector<1x128xf32> to vector<2048x128xf32>
    %add3A_9 = arith.addf %dot_general3A_5, %add3A : vector<2048x128xf32>
    %swap3A = arith.constant 0 : index
    %swap3A_10 = arith.constant 0 : index
    %swap3A_11 = vector.load %arg4[%swap3A, %swap3A_10] : memref<2048x128xf32, #tpu.memory_space<vmem>>, vector<2048x128xf32>
    tpu.vector_store %arg4[%swap3A, %swap3A_10], %add3A_9 {strides = array<i32>} : memref<2048x128xf32, #tpu.memory_space<vmem>>, vector<2048x128xf32>,
    return
  }
  func.func @transform_0(%arg0: i32) -> (i32, i32) {
    %c0_i32 = arith.constant 0 : i32
    %c0_i32_0 = arith.constant 0 : i32
    return %arg0, %c0_i32 : i32, i32
  }
  func.func @transform_1(%arg0: i32) -> (i32, i32) {
    %c0_i32 = arith.constant 0 : i32
    %c0_i32_0 = arith.constant 0 : i32
    %c0_i32_1 = arith.constant 0 : i32
    return %c0_i32, %c0_i32_0 : i32, i32
  }
  func.func @transform_2(%arg0: i32) -> (i32, i32) {
    %c0_i32 = arith.constant 0 : i32
    %c0_i32_0 = arith.constant 0 : i32
    %c0_i32_1 = arith.constant 0 : i32
    return %c0_i32, %c0_i32_0 : i32, i32
  }
  func.func @transform_3(%arg0: i32) -> (i32, i32) {
    %c0_i32 = arith.constant 0 : i32
    %c0_i32_0 = arith.constant 0 : i32
    return %arg0, %c0_i32 : i32, i32
  }
}

module attributes {stable_mosaic.version = 14 : i64} {
  func.func @_node_pre_body(%arg0: i32, %arg1: memref<1024x128xf32, #tpu.memory_space<vmem>>, %arg2: memref<1024x1xf32, #tpu.memory_space<vmem>>, %arg3: memref<128x128xf32, #tpu.memory_space<vmem>>, %arg4: memref<128x128xf32, #tpu.memory_space<vmem>>, %arg5: memref<1x128xf32, #tpu.memory_space<vmem>>, %arg6: memref<1024x128xf32, #tpu.memory_space<vmem>>, %arg7: memref<1024x128xf32, #tpu.memory_space<vmem>>) attributes {dimension_semantics = [#tpu.dimension_semantics<arbitrary>], iteration_bounds = array<i64: 10>, scalar_prefetch = 0 : i64, scratch_operands = 0 : i64, tpu.core_type = #tpu.core_type<tc>, window_params = [{transform_indices = @transform_0, window_bounds = array<i64: 1024, 128>}, {transform_indices = @transform_1, window_bounds = array<i64: 1024, 1>}, {pipeline_mode = #tpu.pipeline_mode<synchronous>, transform_indices = @transform_2, window_bounds = array<i64: 128, 128>}, {pipeline_mode = #tpu.pipeline_mode<synchronous>, transform_indices = @transform_3, window_bounds = array<i64: 128, 128>}, {pipeline_mode = #tpu.pipeline_mode<synchronous>, transform_indices = @transform_4, window_bounds = array<i64: 1, 128>}, {transform_indices = @transform_5, window_bounds = array<i64: 1024, 128>}, {transform_indices = @transform_6, window_bounds = array<i64: 1024, 128>}]} {
    %get3A = arith.constant 0 : index
    %get3A_0 = arith.constant 0 : index
    %get3A_1 = vector.load %arg1[%get3A, %get3A_0] : memref<1024x128xf32, #tpu.memory_space<vmem>>, vector<1024x128xf32>
    %get3A_2 = arith.constant 0 : index
    %get3A_3 = arith.constant 0 : index
    %get3A_4 = vector.load %arg3[%get3A_2, %get3A_3] : memref<128x128xf32, #tpu.memory_space<vmem>>, vector<128x128xf32>
    %dot_general3A = arith.constant dense<0.000000e+00> : vector<1024x128xf32>
    %dot_general3A_5 = tpu.matmul %get3A_1, %get3A_4, %dot_general3A {dimension_numbers = #tpu.dot_dimension_numbers<[1], [0], [0], [1], [0, 0, 1, 1], [], []>, precision = #tpu.contract_precision<fp32>, transpose_lhs_hint = false} : vector<1024x128xf32>, vector<128x128xf32>, vector<1024x128xf32> -> vector<1024x128xf32>
    %get3A_6 = arith.constant 0 : index
    %get3A_7 = arith.constant 0 : index
    %get3A_8 = vector.load %arg2[%get3A_6, %get3A_7] : memref<1024x1xf32, #tpu.memory_space<vmem>>, vector<1024x1xf32>
    %get3A_9 = arith.constant 0 : index
    %get3A_10 = arith.constant 0 : index
    %get3A_11 = vector.load %arg5[%get3A_9, %get3A_10] : memref<1x128xf32, #tpu.memory_space<vmem>>, vector<1x128xf32>
    %mul3A = vector.broadcast %get3A_8 : vector<1024x1xf32> to vector<1024x128xf32>
    %mul3A_12 = vector.broadcast %get3A_11 : vector<1x128xf32> to vector<1024x128xf32>
    %mul3A_13 = arith.mulf %mul3A, %mul3A_12 : vector<1024x128xf32>
    %add3A = arith.addf %dot_general3A_5, %mul3A_13 : vector<1024x128xf32>
    %swap3A = arith.constant 0 : index
    %swap3A_14 = arith.constant 0 : index
    %swap3A_15 = vector.load %arg6[%swap3A, %swap3A_14] : memref<1024x128xf32, #tpu.memory_space<vmem>>, vector<1024x128xf32>
    tpu.vector_store %arg6[%swap3A, %swap3A_14], %add3A {strides = array<i32>} : memref<1024x128xf32, #tpu.memory_space<vmem>>, vector<1024x128xf32>,
    %get3A_16 = arith.constant 0 : index
    %get3A_17 = arith.constant 0 : index
    %get3A_18 = vector.load %arg4[%get3A_16, %get3A_17] : memref<128x128xf32, #tpu.memory_space<vmem>>, vector<128x128xf32>
    %dot_general3A_19 = arith.constant dense<0.000000e+00> : vector<1024x128xf32>
    %dot_general3A_20 = tpu.matmul %get3A_1, %get3A_18, %dot_general3A_19 {dimension_numbers = #tpu.dot_dimension_numbers<[1], [0], [0], [1], [0, 0, 1, 1], [], []>, precision = #tpu.contract_precision<fp32>, transpose_lhs_hint = false} : vector<1024x128xf32>, vector<128x128xf32>, vector<1024x128xf32> -> vector<1024x128xf32>
    %swap3A_21 = arith.constant 0 : index
    %swap3A_22 = arith.constant 0 : index
    %swap3A_23 = vector.load %arg7[%swap3A_21, %swap3A_22] : memref<1024x128xf32, #tpu.memory_space<vmem>>, vector<1024x128xf32>
    tpu.vector_store %arg7[%swap3A_21, %swap3A_22], %dot_general3A_20 {strides = array<i32>} : memref<1024x128xf32, #tpu.memory_space<vmem>>, vector<1024x128xf32>,
    return
  }
  func.func @transform_0(%arg0: i32) -> (i32, i32) {
    %c0_i32 = arith.constant 0 : i32
    %c0_i32_0 = arith.constant 0 : i32
    return %arg0, %c0_i32 : i32, i32
  }
  func.func @transform_1(%arg0: i32) -> (i32, i32) {
    %c0_i32 = arith.constant 0 : i32
    %c0_i32_0 = arith.constant 0 : i32
    return %arg0, %c0_i32 : i32, i32
  }
  func.func @transform_2(%arg0: i32) -> (i32, i32) {
    %c0_i32 = arith.constant 0 : i32
    %c0_i32_0 = arith.constant 0 : i32
    %c0_i32_1 = arith.constant 0 : i32
    return %c0_i32, %c0_i32_0 : i32, i32
  }
  func.func @transform_3(%arg0: i32) -> (i32, i32) {
    %c0_i32 = arith.constant 0 : i32
    %c0_i32_0 = arith.constant 0 : i32
    %c0_i32_1 = arith.constant 0 : i32
    return %c0_i32, %c0_i32_0 : i32, i32
  }
  func.func @transform_4(%arg0: i32) -> (i32, i32) {
    %c0_i32 = arith.constant 0 : i32
    %c0_i32_0 = arith.constant 0 : i32
    %c0_i32_1 = arith.constant 0 : i32
    return %c0_i32, %c0_i32_0 : i32, i32
  }
  func.func @transform_5(%arg0: i32) -> (i32, i32) {
    %c0_i32 = arith.constant 0 : i32
    %c0_i32_0 = arith.constant 0 : i32
    return %arg0, %c0_i32 : i32, i32
  }
  func.func @transform_6(%arg0: i32) -> (i32, i32) {
    %c0_i32 = arith.constant 0 : i32
    %c0_i32_0 = arith.constant 0 : i32
    return %arg0, %c0_i32 : i32, i32
  }
}

module attributes {stable_mosaic.version = 14 : i64} {
  func.func @_post_body(%arg0: i32, %arg1: memref<1000x128xf32, #tpu.memory_space<vmem>>, %arg2: memref<1000x16xf32, #tpu.memory_space<vmem>>, %arg3: memref<1000x128xf32, #tpu.memory_space<vmem>>, %arg4: memref<128x128xf32, #tpu.memory_space<vmem>>, %arg5: memref<1x128xf32, #tpu.memory_space<vmem>>, %arg6: memref<128x128xf32, #tpu.memory_space<vmem>>, %arg7: memref<128x128xf32, #tpu.memory_space<vmem>>, %arg8: memref<1x128xf32, #tpu.memory_space<vmem>>, %arg9: memref<128x128xf32, #tpu.memory_space<vmem>>, %arg10: memref<1x128xf32, #tpu.memory_space<vmem>>, %arg11: memref<1000x128xf32, #tpu.memory_space<vmem>>) attributes {dimension_semantics = [#tpu.dimension_semantics<arbitrary>], iteration_bounds = array<i64: 10>, scalar_prefetch = 0 : i64, scratch_operands = 0 : i64, tpu.core_type = #tpu.core_type<tc>, window_params = [{transform_indices = @transform_0, window_bounds = array<i64: 1000, 128>}, {transform_indices = @transform_1, window_bounds = array<i64: 1000, 16>}, {transform_indices = @transform_2, window_bounds = array<i64: 1000, 128>}, {pipeline_mode = #tpu.pipeline_mode<synchronous>, transform_indices = @transform_3, window_bounds = array<i64: 128, 128>}, {pipeline_mode = #tpu.pipeline_mode<synchronous>, transform_indices = @transform_4, window_bounds = array<i64: 1, 128>}, {pipeline_mode = #tpu.pipeline_mode<synchronous>, transform_indices = @transform_5, window_bounds = array<i64: 128, 128>}, {pipeline_mode = #tpu.pipeline_mode<synchronous>, transform_indices = @transform_6, window_bounds = array<i64: 128, 128>}, {pipeline_mode = #tpu.pipeline_mode<synchronous>, transform_indices = @transform_7, window_bounds = array<i64: 1, 128>}, {pipeline_mode = #tpu.pipeline_mode<synchronous>, transform_indices = @transform_8, window_bounds = array<i64: 128, 128>}, {pipeline_mode = #tpu.pipeline_mode<synchronous>, transform_indices = @transform_9, window_bounds = array<i64: 1, 128>}, {transform_indices = @transform_10, window_bounds = array<i64: 1000, 128>}]} {
    %get3A = arith.constant 0 : index
    %get3A_0 = arith.constant 0 : index
    %get3A_1 = vector.load %arg2[%get3A, %get3A_0] : memref<1000x16xf32, #tpu.memory_space<vmem>>, vector<1000x16xf32>
    %slice3A = vector.extract_strided_slice %get3A_1 {offsets = [0, 0], sizes = [1000, 1], strides = [1, 1]} : vector<1000x16xf32> to vector<1000x1xf32>
    %get3A_2 = arith.constant 0 : index
    %get3A_3 = arith.constant 0 : index
    %get3A_4 = vector.load %arg1[%get3A_2, %get3A_3] : memref<1000x128xf32, #tpu.memory_space<vmem>>, vector<1000x128xf32>
    %get3A_5 = arith.constant 0 : index
    %get3A_6 = arith.constant 0 : index
    %get3A_7 = vector.load %arg4[%get3A_5, %get3A_6] : memref<128x128xf32, #tpu.memory_space<vmem>>, vector<128x128xf32>
    %dot_general3A = arith.constant dense<0.000000e+00> : vector<1000x128xf32>
    %dot_general3A_8 = tpu.matmul %get3A_4, %get3A_7, %dot_general3A {dimension_numbers = #tpu.dot_dimension_numbers<[1], [0], [0], [1], [0, 0, 1, 1], [], []>, precision = #tpu.contract_precision<fp32>, transpose_lhs_hint = false} : vector<1000x128xf32>, vector<128x128xf32>, vector<1000x128xf32> -> vector<1000x128xf32>
    %get3A_9 = arith.constant 0 : index
    %get3A_10 = arith.constant 0 : index
    %get3A_11 = vector.load %arg5[%get3A_9, %get3A_10] : memref<1x128xf32, #tpu.memory_space<vmem>>, vector<1x128xf32>
    %mul3A = vector.broadcast %slice3A : vector<1000x1xf32> to vector<1000x128xf32>
    %mul3A_12 = vector.broadcast %get3A_11 : vector<1x128xf32> to vector<1000x128xf32>
    %mul3A_13 = arith.mulf %mul3A, %mul3A_12 : vector<1000x128xf32>
    %add3A = arith.addf %dot_general3A_8, %mul3A_13 : vector<1000x128xf32>
    %get3A_14 = arith.constant 0 : index
    %get3A_15 = arith.constant 0 : index
    %get3A_16 = vector.load %arg3[%get3A_14, %get3A_15] : memref<1000x128xf32, #tpu.memory_space<vmem>>, vector<1000x128xf32>
    %get3A_17 = arith.constant 0 : index
    %get3A_18 = arith.constant 0 : index
    %get3A_19 = vector.load %arg6[%get3A_17, %get3A_18] : memref<128x128xf32, #tpu.memory_space<vmem>>, vector<128x128xf32>
    %dot_general3A_20 = arith.constant dense<0.000000e+00> : vector<1000x128xf32>
    %dot_general3A_21 = tpu.matmul %get3A_16, %get3A_19, %dot_general3A_20 {dimension_numbers = #tpu.dot_dimension_numbers<[1], [0], [0], [1], [0, 0, 1, 1], [], []>, precision = #tpu.contract_precision<fp32>, transpose_lhs_hint = false} : vector<1000x128xf32>, vector<128x128xf32>, vector<1000x128xf32> -> vector<1000x128xf32>
    %get3A_22 = arith.constant 0 : index
    %get3A_23 = arith.constant 0 : index
    %get3A_24 = vector.load %arg7[%get3A_22, %get3A_23] : memref<128x128xf32, #tpu.memory_space<vmem>>, vector<128x128xf32>
    %dot_general3A_25 = arith.constant dense<0.000000e+00> : vector<1000x128xf32>
    %dot_general3A_26 = tpu.matmul %add3A, %get3A_24, %dot_general3A_25 {dimension_numbers = #tpu.dot_dimension_numbers<[1], [0], [0], [1], [0, 0, 1, 1], [], []>, precision = #tpu.contract_precision<fp32>, transpose_lhs_hint = false} : vector<1000x128xf32>, vector<128x128xf32>, vector<1000x128xf32> -> vector<1000x128xf32>
    %add3A_27 = arith.addf %dot_general3A_21, %dot_general3A_26 : vector<1000x128xf32>
    %get3A_28 = arith.constant 0 : index
    %get3A_29 = arith.constant 0 : index
    %get3A_30 = vector.load %arg8[%get3A_28, %get3A_29] : memref<1x128xf32, #tpu.memory_space<vmem>>, vector<1x128xf32>
    %add3A_31 = vector.broadcast %get3A_30 : vector<1x128xf32> to vector<1000x128xf32>
    %add3A_32 = arith.addf %add3A_27, %add3A_31 : vector<1000x128xf32>
    %max3A = arith.constant 0.000000e+00 : f32
    %max3A_33 = vector.broadcast %max3A : f32 to vector<1000x128xf32>
    %max3A_34 = arith.maximumf %add3A_32, %max3A_33 : vector<1000x128xf32>
    %get3A_35 = arith.constant 0 : index
    %get3A_36 = arith.constant 0 : index
    %get3A_37 = vector.load %arg9[%get3A_35, %get3A_36] : memref<128x128xf32, #tpu.memory_space<vmem>>, vector<128x128xf32>
    %dot_general3A_38 = arith.constant dense<0.000000e+00> : vector<1000x128xf32>
    %dot_general3A_39 = tpu.matmul %max3A_34, %get3A_37, %dot_general3A_38 {dimension_numbers = #tpu.dot_dimension_numbers<[1], [0], [0], [1], [0, 0, 1, 1], [], []>, precision = #tpu.contract_precision<fp32>, transpose_lhs_hint = false} : vector<1000x128xf32>, vector<128x128xf32>, vector<1000x128xf32> -> vector<1000x128xf32>
    %get3A_40 = arith.constant 0 : index
    %get3A_41 = arith.constant 0 : index
    %get3A_42 = vector.load %arg10[%get3A_40, %get3A_41] : memref<1x128xf32, #tpu.memory_space<vmem>>, vector<1x128xf32>
    %add3A_43 = vector.broadcast %get3A_42 : vector<1x128xf32> to vector<1000x128xf32>
    %add3A_44 = arith.addf %dot_general3A_39, %add3A_43 : vector<1000x128xf32>
    %swap3A = arith.constant 0 : index
    %swap3A_45 = arith.constant 0 : index
    %swap3A_46 = vector.load %arg11[%swap3A, %swap3A_45] : memref<1000x128xf32, #tpu.memory_space<vmem>>, vector<1000x128xf32>
    tpu.vector_store %arg11[%swap3A, %swap3A_45], %add3A_44 {strides = array<i32>} : memref<1000x128xf32, #tpu.memory_space<vmem>>, vector<1000x128xf32>,
    return
  }
  func.func @transform_0(%arg0: i32) -> (i32, i32) {
    %c0_i32 = arith.constant 0 : i32
    %c0_i32_0 = arith.constant 0 : i32
    return %arg0, %c0_i32 : i32, i32
  }
  func.func @transform_1(%arg0: i32) -> (i32, i32) {
    %c0_i32 = arith.constant 0 : i32
    %c0_i32_0 = arith.constant 0 : i32
    return %arg0, %c0_i32 : i32, i32
  }
  func.func @transform_2(%arg0: i32) -> (i32, i32) {
    %c0_i32 = arith.constant 0 : i32
    %c0_i32_0 = arith.constant 0 : i32
    return %arg0, %c0_i32 : i32, i32
  }
  func.func @transform_3(%arg0: i32) -> (i32, i32) {
    %c0_i32 = arith.constant 0 : i32
    %c0_i32_0 = arith.constant 0 : i32
    %c0_i32_1 = arith.constant 0 : i32
    return %c0_i32, %c0_i32_0 : i32, i32
  }
  func.func @transform_4(%arg0: i32) -> (i32, i32) {
    %c0_i32 = arith.constant 0 : i32
    %c0_i32_0 = arith.constant 0 : i32
    %c0_i32_1 = arith.constant 0 : i32
    return %c0_i32, %c0_i32_0 : i32, i32
  }
  func.func @transform_5(%arg0: i32) -> (i32, i32) {
    %c0_i32 = arith.constant 0 : i32
    %c0_i32_0 = arith.constant 0 : i32
    %c0_i32_1 = arith.constant 0 : i32
    return %c0_i32, %c0_i32_0 : i32, i32
  }
  func.func @transform_6(%arg0: i32) -> (i32, i32) {
    %c0_i32 = arith.constant 0 : i32
    %c0_i32_0 = arith.constant 0 : i32
    %c0_i32_1 = arith.constant 0 : i32
    return %c0_i32, %c0_i32_0 : i32, i32
  }
  func.func @transform_7(%arg0: i32) -> (i32, i32) {
    %c0_i32 = arith.constant 0 : i32
    %c0_i32_0 = arith.constant 0 : i32
    %c0_i32_1 = arith.constant 0 : i32
    return %c0_i32, %c0_i32_0 : i32, i32
  }
  func.func @transform_8(%arg0: i32) -> (i32, i32) {
    %c0_i32 = arith.constant 0 : i32
    %c0_i32_0 = arith.constant 0 : i32
    %c0_i32_1 = arith.constant 0 : i32
    return %c0_i32, %c0_i32_0 : i32, i32
  }
  func.func @transform_9(%arg0: i32) -> (i32, i32) {
    %c0_i32 = arith.constant 0 : i32
    %c0_i32_0 = arith.constant 0 : i32
    %c0_i32_1 = arith.constant 0 : i32
    return %c0_i32, %c0_i32_0 : i32, i32
  }
  func.func @transform_10(%arg0: i32) -> (i32, i32) {
    %c0_i32 = arith.constant 0 : i32
    %c0_i32_0 = arith.constant 0 : i32
    return %arg0, %c0_i32 : i32, i32
  }
}

</mosaic_0001>

<sc_bundles>
// kernel: kernel.6.cloned.1.call-start
scs
__scs_entry_jumppad:
0x0: {  	(pc) =	sbr.rel $0x88, $3  }
0x1: {  	(tag) =	ssettag $0x0;
	lr =	simm.s32 $0x1  }
0x2: {  	[smem:$0x3F95] =	sst lr;
	_ =	strace $0xD0000000  }
0x3: {  	_ = 	snop  }
0x4: {  	_ = 	snop  }
0x5: {  	_ = 	snop  }
0x6: {  	_ = 	snop  }
0x7: {  	_ = 	snop  }
__scs_overlays_trampoline_lowered:
0x8: {  	[smem:$0x3FA4] =	sst s0  }
0x9: {  	[smem:$0x3FA5] =	sst s1  }
0xa: {  	[smem:$0x3FA6] =	sst s2  }
0xb: {  	[smem:$0x3FA7] =	sst s3  }
0xc: {  	[smem:$0x3FA8] =	sst s4  }
0xd: {  	[smem:$0x3FA9] =	sst s5  }
0xe: {  	[smem:$0x3FAA] =	sst s6  }
0xf: {  	[smem:$0x3FAB] =	sst s7  }
0x10: {  	[smem:$0x3FAC] =	sst s8  }
0x11: {  	[smem:$0x3FAD] =	sst s9;
	s0 =	simm.s32 @!p0 $0x0  }
0x12: {  	s1 =	sld [smem:$0x3F93];
	s0 =	simm.s32 @p0 $0x1  }
0x13: {  	[smem:$0x3FAE] =	sst s0;
	s0 =	simm.s32 @!p1 $0x0  }
0x14: {  	s2 =	sld [smem:$0x3F92];
	s0 =	simm.s32 @p1 $0x1  }
0x15: {  	[smem:$0x3FAF] =	sst s0;
	s0 =	simm.s32 @!p2 $0x0  }
0x16: {  	s3 =	sld [smem:$0x3FDB];
	s0 =	simm.s32 @p2 $0x1  }
0x17: {  	s4 =	simm.s32 $0x1BF5;
	[smem:$0x3FB1] =	sst s0  }
0x18: {  	s0 =	sld [smem:$0x3F94];
	_ =	swait.ge [sflag:s4], $0x0  }
0x19: {  	s7 =	sld [smem:$0x3F95]  }
0x1a: {  	s8 =	sadd.s32 $0xFFFFE003, lr  }
0x1b: {  	s9 =	sadd.s32 $0xFFFFFEF7, lr;
	s5 =	simm.s32 $0xFFFFFFFF;
	p2 =	slt.u32 s8, $0xFFFFF086  }
0x1c: {  	p1 =	slt.u32 s9, $0xF7A;
	s5 =	simm.s32 @!p2 $0x0  }
0x1d: {  	s5 =	simm.s32 @p1 $0x1;
	p0 =	seq.s32 s7, s2  }
0x1e: {  	s7 =	smul.u32 @!p0 $0xF7A, s2;
	p2 =	seq.s32 @!p0 s5, $0x0  }
0x1f: {  	s9 =	smul.u32 $0xF7A, s1;
	s8 =	simm.s32 @!p0 $0x1BF5;
	p2 =	por !p2, p0  }
0x20: {  	[sflag:s8] =	ssyncset.s32 @!p0 $0xFFFFF086;
	s6 =	sadd.s32 @!p0 s3, s7;
	s7 =	simm.s32 @!p0 $0x108  }
0x21: {  	s3 =	sadd.s32 s3, s9;
	s6 =	sadd.s32 @!p0 $0x88, s6;
	s7 =	simm.s32 @p2 $0x1082  }
0x22: {  	[simem:s7], [sflag:s8] =	dma.local @!p0 [hbm:s6], $0xF7A  }
0x23: {  	s9 =	sor.u32 $0xD0000000, s2;
	s6 =	simm.s32 $0x108;
	_ =	swait.ge @!p0 [sflag:s8], $0x0  }
0x24: {  	s3 =	sadd.s32 $0x88, s3;
	s6 =	simm.s32 @!p1 $0x1082;
	[sflag:s4] =	ssyncset.s32 $0xFFFFF086  }
0x25: {  	[simem:s6], [sflag:s4] =	dma.local [hbm:s3], $0xF7A  }
0x26: {  	[smem:$0x3F95] =	sst s1;
	(tag) =	ssettag s2;
	_ =	strace s9  }
0x27: {  	s1 =	sld [smem:$0x3FA5]  }
0x28: {  	s2 =	sld [smem:$0x3FA6]  }
0x29: {  	s4 =	sld [smem:$0x3FA8]  }
0x2a: {  	p0 =	seq.s32 s5, $0x0;
	s5 =	sld [smem:$0x3FA9]  }
0x2b: {  	s6 =	sld [smem:$0x3FAA]  }
0x2c: {  	s7 =	sld [smem:$0x3FAB]  }
0x2d: {  	s3 =	simm.s32 $0x108;
	s8 =	sld [smem:$0x3FAC]  }
0x2e: {  	s3 =	simm.s32 @!p0 $0x1082;
	s9 =	sld [smem:$0x3FAD]  }
0x2f: {  	lr =	sadd.s32 s0, s3;
	s0 =	sld [smem:$0x3FA4]  }
0x30: {  	s3 =	sld [smem:$0x3FA7]  }
0x31: {  	[smem:$0x3FB0] =	sst s10  }
0x32: {  	s10 =	sld [smem:$0x3FAE];
	_ =	sdelay $0x3  }
0x33: {  	p0 =	seq.s32 s10, $0x1;
	s10 =	sld [smem:$0x3FB0];
	_ =	sdelay $0x3  }
0x34: {  	[smem:$0x3FB0] =	sst s10  }
0x35: {  	s10 =	sld [smem:$0x3FAF];
	_ =	sdelay $0x3  }
0x36: {  	p1 =	seq.s32 s10, $0x1;
	s10 =	sld [smem:$0x3FB0];
	_ =	sdelay $0x3  }
0x37: {  	[smem:$0x3FB0] =	sst s10  }
0x38: {  	s10 =	sld [smem:$0x3FB1]  }
0x39: {  	_ = 	snop;
	(pc) =	sbr.ind lr, $3  }
0x3a: {  	_ = 	snop  }
0x3b: {  	_ = 	snop  }
0x3c: {  	p2 =	seq.s32 s10, $0x1;
	s10 =	sld [smem:$0x3FB0]  }
0x3d: {  	_ =	shalt  }
0x3e: {  	_ =	shalt  }
0x3f: {  	_ =	shalt  }
0x40: {  	_ =	shalt  }
0x41: {  	_ =	shalt  }
0x42: {  	_ =	shalt  }
0x43: {  	_ =	shalt  }
0x44: {  	_ =	shalt  }
0x45: {  	_ =	shalt  }
0x46: {  	_ =	shalt  }
0x47: {  	_ =	shalt  }
0x48: {  	_ =	shalt  }
0x49: {  	_ =	shalt  }
0x4a: {  	_ =	shalt  }
0x4b: {  	_ =	shalt  }
0x4c: {  	_ =	shalt  }
0x4d: {  	_ =	shalt  }
0x4e: {  	_ =	shalt  }
0x4f: {  	_ =	shalt  }
0x50: {  	_ =	shalt  }
0x51: {  	_ =	shalt  }
0x52: {  	_ =	shalt  }
0x53: {  	_ =	shalt  }
0x54: {  	_ =	shalt  }
0x55: {  	_ =	shalt  }
0x56: {  	_ =	shalt  }
0x57: {  	_ =	shalt  }
0x58: {  	_ =	shalt  }
0x59: {  	_ =	shalt  }
0x5a: {  	_ =	shalt  }
0x5b: {  	_ =	shalt  }
0x5c: {  	_ =	shalt  }
0x5d: {  	_ =	shalt  }
0x5e: {  	_ =	shalt  }
0x5f: {  	_ =	shalt  }
0x60: {  	_ =	shalt  }
0x61: {  	_ =	shalt  }
0x62: {  	_ =	shalt  }
0x63: {  	_ =	shalt  }
0x64: {  	_ =	shalt  }
0x65: {  	_ =	shalt  }
0x66: {  	_ =	shalt  }
0x67: {  	_ =	shalt  }
0x68: {  	_ =	shalt  }
0x69: {  	_ =	shalt  }
0x6a: {  	_ =	shalt  }
0x6b: {  	_ =	shalt  }
0x6c: {  	_ =	shalt  }
0x6d: {  	_ =	shalt  }
0x6e: {  	_ =	shalt  }
0x6f: {  	_ =	shalt  }
0x70: {  	_ =	shalt  }
0x71: {  	_ =	shalt  }
0x72: {  	_ =	shalt  }
0x73: {  	_ =	shalt  }
0x74: {  	_ =	shalt  }
0x75: {  	_ =	shalt  }
0x76: {  	_ =	shalt  }
0x77: {  	_ =	shalt  }
0x78: {  	_ =	shalt  }
0x79: {  	_ =	shalt  }
0x7a: {  	_ =	shalt  }
0x7b: {  	_ =	shalt  }
0x7c: {  	_ =	shalt  }
0x7d: {  	_ =	shalt  }
0x7e: {  	_ =	shalt  }
0x7f: {  	_ =	shalt  }
0x80: {  	_ =	shalt  }
0x81: {  	_ =	shalt  }
0x82: {  	_ =	shalt  }
0x83: {  	_ =	shalt  }
0x84: {  	_ =	shalt  }
0x85: {  	_ =	shalt  }
0x86: {  	_ =	shalt  }
0x87: {  	_ =	shalt  }
.Lfunc_end0:
.L_simem_size_0:
called_computation_lowered:
.L_overlay_start_0:
0x88: {  	s2 =	sld [smem:$0x3FD9]  }
0x89: {  	s3 =	sld [smem:$0x3FFE];
	_ =	sdelay $0x1  }
0x8a: {  	s1 =	srdreg.scid  }
0x8b: {  	s0 =	sand.u32 $0x1, s1  }
0x8c: {  	s17 =	sshll.u32 s0, $0xA;
	s2 =	sadd.s32 s3, s2  }
0x8d: {  	s2 =	sadd.s32 s2, s17  }
0x8e: {  	[smem:$0x3FBC] =	sst s2  }
0x8f: {  	_ = 	snop  }
0x90: {  	s2 =	sld [smem:$0x3FD0];
	(tm) =	ssettm $0x1  }
0x91: {  	s18 =	sld [smem:$0x3FFB];
	_ =	sdelay $0x3  }
0x92: {  	_ =	strace s18  }
0x93: {  	s3 =	sld [smem:$0x3FFC];
	_ =	sdelay $0x3  }
0x94: {  	_ =	strace s3  }
0x95: {  	s3 =	sld [smem:$0x3FFD];
	_ =	sdelay $0x3  }
0x96: {  	_ =	strace s3  }
0x97: {  	_ =	strace $0x8FFFFFFF  }
0x98: {  	s19 =	sld [smem:$0x3FDB];
	_ =	sdelay $0x1  }
0x99: {  	s4 =	simm.s32 $_scs_section_size  }
0x9a: {  	s5 =	simm.s32 $_size__tile_overlayer_lowered;
	s6 =	simm.s32 $_tile_overlayer_lowered  }
0x9b: {  	s22 =	simm.s32 $0x1BFF;
	s21 =	sshll.u32 s6, $0x1;
	s3 =	sadd.s32 s4, s19  }
0x9c: {  	s7 =	simm.s32 $0x0;
	s20 =	sshll.u32 s5, $0x1;
	s5 =	sadd.s32 s21, s3  }
0x9d: {  	[timem:s7], [sflag:s22] =	dma.local [hbm:s5], s20  }
0x9e: {  	_ =	swait.ge [sflag:s22], s20  }
0x9f: {  	s4 =	ssub.s32 $0x0, s20;
	[sflag:s22] =	ssyncset.done $0x0  }
0xa0: {  	[sflag:s22] =	ssyncadd.s32 s4;
	_ =	sdelay $0x1  }
0xa1: {  	s23 =	simm.s32 $0x1B8B  }
0xa2: {  	_ =	swait.ge [sflag:s23], $0x1  }
0xa3: {  	[sflag:s23] =	ssyncset.done $0x0  }
0xa4: {  	s25 =	simm.s32 $0x1B8E;
	s24 =	sld [smem:$0x3FFE];
	[sflag:s23] =	ssyncadd.s32 $0xFFFFFFFF  }
0xa5: {  	s26 =	simm.s32 $execute0_lowered;
	[smem:$0x3FD2] =	sst s25  }
0xa6: {  	s5 =	sshll.u32 s26, $0x1;
	_ =	strace $0x80000046;
	[dreg:$0x1] =	wrdreg $0xFFFFFFFF  }
0xa7: {  	s28 =	simm.s32 $_size_execute0_lowered;
	s3 =	sadd.s32 s3, s5;
	[dreg:$0x0] =	wrdreg $0x0  }
0xa8: {  	s5 =	sshll.u32 s28, $0x1;
	[dreg:$0x2] =	wrdreg s3  }
0xa9: {  	[dreg:$0x3] =	wrdreg s5  }
0xaa: {  	[dreg:$0x4] =	wrdreg $0xC0  }
0xab: {  	_ =	task [dreg:s7], $0x5FFFF  }
0xac: {  	[dreg:$0x1] =	wrdreg $0xFFFFFFFF  }
0xad: {  	[dreg:$0x0] =	wrdreg $0x60  }
0xae: {  	[dreg:$0x2] =	wrdreg s24  }
0xaf: {  	[dreg:$0x3] =	wrdreg s2  }
0xb0: {  	[dreg:$0x4] =	wrdreg $0x41800  }
0xb1: {  	[dreg:$0x5] =	wrdreg $0x101800  }
0xb2: {  	[dreg:$0x6] =	wrdreg $0x9  }
0xb3: {  	_ =	task.clear_ibuf [dreg:s7], $0x7FFFF;
	_ =	strace $0x90000046  }
0xb4: {  	s29 =	simm.s32 $0x9;
	_ =	strace $0x80000048  }
0xb5: {  	_ =	swait.ge [sflag:s29], $0x1  }
0xb6: {  	[sflag:s29] =	ssyncadd.s32 $0xFFFFFFFF  }
0xb7: {  	_ =	strace $0x90000048  }
0xb8: {  	_ =	sfence  }
0xb9: {  	s30 =	sld [smem:$0x0];
	_ =	sdelay $0x2  }
0xba: {  	s31 =	sshll.u32 s1, $0xD;
	s1 =	sshrl.u32 s1, $0x2  }
0xbb: {  	s3 =	sand.u32 $0x4000, s31;
	s1 =	sadd.s32 s1, s30  }
0xbc: {  	s0 =	sor.u32 s3, s0;
	s1 =	sshll.u32 s1, $0x11  }
0xbd: {  	s0 =	sor.u32 s1, s0  }
0xbe: {  	s0 =	sadd.s32 $0x8F2B, s0  }
0xbf: {  	[sflag:s0] =	ssyncadd.remote.s32 $0x1  }
0xc0: {  	_ =	sfence.sel $0xFFFF  }
0xc1: {  	[dreg:$0x0] =	wrdreg $0xFFFFFFFF;
	(pc) =	sbr.abs _section_cstart, $3  }
0xc2: {  	[dreg:$0x1] =	wrdreg $0xFFFFFFFF  }
0xc3: {  	_ =	task.clear_ibuf [dreg:s7], $0x2FFFF;
	_ =	strace $0x9FFFFFFF  }
0xc4: {  	(tm) =	ssettm $0x7FFFFFFF  }
0xc5: {  	_ =	shalt  }
tec
execute0_lowered:
.L_overlay_start_1:
0x0: {  	(tag) =	ssettag $0x1  }
0x1: {  	s0 =	rddreg [dreg:$0x0]  }
0x2: {  	s1 =	rddreg [dreg:$0x1]  }
0x3: {  	s2 =	rddreg [dreg:$0x2]  }
0x4: {  	s4 =	rddreg [dreg:$0x3];
	s5 =	simm.s32 $0x0  }
0x5: {  	s3 =	srdreg.scid;
	s17 =	stileid.u32;
	s28 =	simm.s32 $0x0  }
0x6: {  	[smem:$0x7FF] =	sst s5;
	s3 =	sand.u32 $0x1, s3;
	s10 =	smul.u32 $0x180, s17  }
0x7: {  	s6 =	sadd.s32 $0x4200, s0;
	s7 =	sadd.s32 $0x2C200, s0;
	s13 =	smul.u32 $0xC000, s17  }
0x8: {  	s8 =	sadd.s32 $0xA37600, s0;
	s9 =	sadd.s32 $0x5F600, s0;
	s17 =	smul.u32 $0x5000, s17  }
0x9: {  	_ =	strace $0x80000047;
	s11 =	smul.u32 $0x1800, s3;
	s12 =	ssub.s32 $0x2, s3  }
0xa: {  	s14 =	sshrl.u32 s12, $0x1;
	s18 =	sor.u32 $0x1000, s13;
	s20 =	sor.u32 $0x2000, s13  }
0xb: {  	s22 =	sor.u32 $0x3000, s13;
	s24 =	sadd.s32 $0x4000, s13;
	s26 =	sadd.s32 $0x5000, s13  }
0xc: {  	s30 =	sadd.s32 s13, s2;
	s31 =	sadd.s32 s13, s4;
	s19 =	sadd.s32 s18, s2  }
0xd: {  	s11 =	sadd.s32 s10, s11;
	s21 =	sadd.s32 s20, s2;
	[dreg:$0x5] =	wrdreg s19  }
0xe: {  	s10 =	sadd.s32 $0x55600, s0;
	s23 =	sadd.s32 s22, s2;
	[dreg:$0x7] =	wrdreg s21  }
0xf: {  	s16 =	ssub.s32 s12, s14;
	s25 =	sadd.s32 s24, s2;
	[dreg:$0x9] =	wrdreg s23  }
0x10: {  	s29 =	sadd.s32 s26, s2;
	s14 =	sadd.s32 $0x6000, s13;
	[dreg:$0xb] =	wrdreg s25  }
0x11: {  	s11 =	sshll.u32 s11, $0x4;
	[dreg:$0xd] =	wrdreg s29;
	s15 =	sadd.s32 s14, s2  }
0x12: {  	s25 =	sadd.s32 $0xB000, s13;
	s16 =	smax.u32 s16, $0x1;
	s0 =	sadd.s32 s11, s0  }
0x13: {  	s11 =	sadd.s32 s18, s4;
	[dreg:$0xf] =	wrdreg s15;
	s18 =	sadd.s32 $0x7000, s13  }
0x14: {  	s29 =	sadd.s32 s25, s2;
	s12 =	sadd.s32 s25, s4;
	[dreg:$0x6] =	wrdreg s11  }
0x15: {  	s25 =	simm.s32 $0x1180;
	s11 =	sadd.s32 s20, s4;
	[dreg:$0x19] =	wrdreg s29  }
0x16: {  	s19 =	sadd.s32 s18, s2;
	s20 =	sadd.s32 $0x8000, s13;
	[dreg:$0x8] =	wrdreg s11  }
0x17: {  	s15 =	sadd.s32 $0x99600, s0;
	s11 =	sadd.s32 s22, s4;
	[dreg:$0x11] =	wrdreg s19  }
0x18: {  	s21 =	sadd.s32 s20, s2;
	s22 =	sadd.s32 $0x9000, s13;
	[dreg:$0xa] =	wrdreg s11  }
0x19: {  	s19 =	simm.s32 $0x2;
	s11 =	sadd.s32 s24, s4;
	[dreg:$0x13] =	wrdreg s21  }
0x1a: {  	s23 =	sadd.s32 s22, s2;
	s24 =	sadd.s32 $0xA000, s13;
	[dreg:$0xc] =	wrdreg s11  }
0x1b: {  	s13 =	smul.u32 $0x50000, s3;
	s11 =	sadd.s32 s26, s4;
	[dreg:$0x15] =	wrdreg s23  }
0x1c: {  	s21 =	simm.s32 $0x80;
	s26 =	sadd.s32 s24, s2;
	[dreg:$0xe] =	wrdreg s11  }
0x1d: {  	s23 =	simm.s32 $0x20;
	s11 =	sadd.s32 s14, s4;
	[dreg:$0x17] =	wrdreg s26  }
0x1e: {  	s14 =	sadd.s32 $0x69600, s0;
	[dreg:$0x10] =	wrdreg s11;
	s11 =	sadd.s32 s18, s4  }
0x1f: {  	s26 =	simm.s32 $0x2180;
	[dreg:$0x12] =	wrdreg s11;
	s11 =	sadd.s32 s20, s4  }
0x20: {  	s18 =	simm.s32 $0x180;
	[dreg:$0x14] =	wrdreg s11;
	s11 =	sadd.s32 s22, s4  }
0x21: {  	s20 =	simm.s32 $0x3180;
	[dreg:$0x16] =	wrdreg s11;
	s11 =	sadd.s32 s24, s4  }
0x22: {  	v0 =	vimm.f32 $0.0e+00;
	v1 =	vimm.f32 $1.000000000e+00;
	s22 =	simm.s32 $0x100;
	s24 =	simm.s32 $0x1;
	[dreg:$0x18] =	wrdreg s11  }
.LBB2_1:
0x23: {  	s0 =	simm.s32 $0x0;
	s3 =	simm.s32 $0x200  }
.LBB2_2:
0x24: {  	p0 =	sne.s32 s3, $0x3E00;
	[tilespmem:s0+$0x3180] =	vst v0  }
0x25: {  	[tilespmem:s0+$0x180] =	vst v0  }
0x26: {  	[tilespmem:s0+$0x190] =	vst v0  }
0x27: {  	[tilespmem:s0+$0x1A0] =	vst v0  }
.Ltmp0:
0x28: {  	[tilespmem:s0+$0x1B0] =	vst v0;
	(pc) =	sbr.rel @p0 .LBB2_2-.Ltmp0, $4  }
0x29: {  	[tilespmem:s0+$0x1C0] =	vst v0  }
0x2a: {  	[tilespmem:s0+$0x1D0] =	vst v0  }
0x2b: {  	[tilespmem:s0+$0x1E0] =	vst v0  }
0x2c: {  	[tilespmem:s0+$0x1F0] =	vst v0;
	s0 =	sshra.s32 s3, $0x2;
	s3 =	sadd.s32 $0x200, s3  }
0x2d: {  	[tilespmem:s0+$0x3180] =	vst v0  }
0x2e: {  	[tilespmem:s0+$0x180] =	vst v0  }
0x2f: {  	[tilespmem:s0+$0x190] =	vst v0  }
0x30: {  	[tilespmem:s0+$0x1A0] =	vst v0  }
0x31: {  	[tilespmem:s0+$0x1B0] =	vst v0  }
0x32: {  	[tilespmem:s0+$0x1C0] =	vst v0  }
0x33: {  	[tilespmem:s0+$0x1D0] =	vst v0  }
0x34: {  	[tilespmem:s0+$0x1E0] =	vst v0  }
0x35: {  	[tilespmem:s0+$0x1F0] =	vst v0  }
0x36: {  	[spmem:s30] =	stream.linear.scatter [tilespmem:s18], [sflag:$0x2], $0x1000, $0x38;
	[tilespmem:$0x11980] =	vst v63  }
0x37: {  	_ =	swait.ge [sflag:s19], $0x1000  }
0x38: {  	[sflag:s19] =	ssyncset.done $0x0  }
0x39: {  	[sflag:s19] =	ssyncadd.s32 $0xFFFFF000  }
0x3a: {  	[spmem:s31] =	stream.linear.scatter [tilespmem:s20], [sflag:$0x2], $0x1000, $0x38;
	[tilespmem:$0x11980] =	vst v63  }
0x3b: {  	_ =	swait.ge [sflag:s19], $0x1000  }
0x3c: {  	[sflag:s19] =	ssyncset.done $0x0  }
0x3d: {  	s11 =	rddreg [dreg:$0x5];
	[sflag:s19] =	ssyncadd.s32 $0xFFFFF000  }
0x3e: {  	[spmem:s11] =	stream.linear.scatter [tilespmem:s18], [sflag:$0x2], $0x1000, $0x38;
	[tilespmem:$0x11980] =	vst v63  }
0x3f: {  	_ =	swait.ge [sflag:s19], $0x1000  }
0x40: {  	[sflag:s19] =	ssyncset.done $0x0  }
0x41: {  	s3 =	rddreg [dreg:$0x6];
	[sflag:s19] =	ssyncadd.s32 $0xFFFFF000  }
0x42: {  	[spmem:s3] =	stream.linear.scatter [tilespmem:s20], [sflag:$0x2], $0x1000, $0x38;
	[tilespmem:$0x11980] =	vst v63  }
0x43: {  	_ =	swait.ge [sflag:s19], $0x1000  }
0x44: {  	[sflag:s19] =	ssyncset.done $0x0  }
0x45: {  	s11 =	rddreg [dreg:$0x7];
	[sflag:s19] =	ssyncadd.s32 $0xFFFFF000  }
0x46: {  	[spmem:s11] =	stream.linear.scatter [tilespmem:s18], [sflag:$0x2], $0x1000, $0x38;
	[tilespmem:$0x11980] =	vst v63  }
0x47: {  	_ =	swait.ge [sflag:s19], $0x1000  }
0x48: {  	[sflag:s19] =	ssyncset.done $0x0  }
0x49: {  	s3 =	rddreg [dreg:$0x8];
	[sflag:s19] =	ssyncadd.s32 $0xFFFFF000  }
0x4a: {  	[spmem:s3] =	stream.linear.scatter [tilespmem:s20], [sflag:$0x2], $0x1000, $0x38;
	[tilespmem:$0x11980] =	vst v63  }
0x4b: {  	_ =	swait.ge [sflag:s19], $0x1000  }
0x4c: {  	[sflag:s19] =	ssyncset.done $0x0  }
0x4d: {  	s11 =	rddreg [dreg:$0x9];
	[sflag:s19] =	ssyncadd.s32 $0xFFFFF000  }
0x4e: {  	[spmem:s11] =	stream.linear.scatter [tilespmem:s18], [sflag:$0x2], $0x1000, $0x38;
	[tilespmem:$0x11980] =	vst v63  }
0x4f: {  	_ =	swait.ge [sflag:s19], $0x1000  }
0x50: {  	[sflag:s19] =	ssyncset.done $0x0  }
0x51: {  	s3 =	rddreg [dreg:$0xa];
	[sflag:s19] =	ssyncadd.s32 $0xFFFFF000  }
0x52: {  	[spmem:s3] =	stream.linear.scatter [tilespmem:s20], [sflag:$0x2], $0x1000, $0x38;
	[tilespmem:$0x11980] =	vst v63  }
0x53: {  	_ =	swait.ge [sflag:s19], $0x1000  }
0x54: {  	[sflag:s19] =	ssyncset.done $0x0  }
0x55: {  	s11 =	rddreg [dreg:$0xb];
	[sflag:s19] =	ssyncadd.s32 $0xFFFFF000  }
0x56: {  	[spmem:s11] =	stream.linear.scatter [tilespmem:s18], [sflag:$0x2], $0x1000, $0x38;
	[tilespmem:$0x11980] =	vst v63  }
0x57: {  	_ =	swait.ge [sflag:s19], $0x1000  }
0x58: {  	[sflag:s19] =	ssyncset.done $0x0  }
0x59: {  	s3 =	rddreg [dreg:$0xc];
	[sflag:s19] =	ssyncadd.s32 $0xFFFFF000  }
0x5a: {  	[spmem:s3] =	stream.linear.scatter [tilespmem:s20], [sflag:$0x2], $0x1000, $0x38;
	[tilespmem:$0x11980] =	vst v63  }
0x5b: {  	_ =	swait.ge [sflag:s19], $0x1000  }
0x5c: {  	[sflag:s19] =	ssyncset.done $0x0  }
0x5d: {  	s11 =	rddreg [dreg:$0xd];
	[sflag:s19] =	ssyncadd.s32 $0xFFFFF000  }
0x5e: {  	[spmem:s11] =	stream.linear.scatter [tilespmem:s18], [sflag:$0x2], $0x1000, $0x38;
	[tilespmem:$0x11980] =	vst v63  }
0x5f: {  	_ =	swait.ge [sflag:s19], $0x1000  }
0x60: {  	[sflag:s19] =	ssyncset.done $0x0  }
0x61: {  	s3 =	rddreg [dreg:$0xe];
	[sflag:s19] =	ssyncadd.s32 $0xFFFFF000  }
0x62: {  	[spmem:s3] =	stream.linear.scatter [tilespmem:s20], [sflag:$0x2], $0x1000, $0x38;
	[tilespmem:$0x11980] =	vst v63  }
0x63: {  	_ =	swait.ge [sflag:s19], $0x1000  }
0x64: {  	[sflag:s19] =	ssyncset.done $0x0  }
0x65: {  	s11 =	rddreg [dreg:$0xf];
	[sflag:s19] =	ssyncadd.s32 $0xFFFFF000  }
0x66: {  	[spmem:s11] =	stream.linear.scatter [tilespmem:s18], [sflag:$0x2], $0x1000, $0x38;
	[tilespmem:$0x11980] =	vst v63  }
0x67: {  	_ =	swait.ge [sflag:s19], $0x1000  }
0x68: {  	[sflag:s19] =	ssyncset.done $0x0  }
0x69: {  	s3 =	rddreg [dreg:$0x10];
	[sflag:s19] =	ssyncadd.s32 $0xFFFFF000  }
0x6a: {  	[spmem:s3] =	stream.linear.scatter [tilespmem:s20], [sflag:$0x2], $0x1000, $0x38;
	[tilespmem:$0x11980] =	vst v63  }
0x6b: {  	_ =	swait.ge [sflag:s19], $0x1000  }
0x6c: {  	[sflag:s19] =	ssyncset.done $0x0  }
0x6d: {  	s11 =	rddreg [dreg:$0x11];
	[sflag:s19] =	ssyncadd.s32 $0xFFFFF000  }
0x6e: {  	[spmem:s11] =	stream.linear.scatter [tilespmem:s18], [sflag:$0x2], $0x1000, $0x38;
	[tilespmem:$0x11980] =	vst v63  }
0x6f: {  	_ =	swait.ge [sflag:s19], $0x1000  }
0x70: {  	[sflag:s19] =	ssyncset.done $0x0  }
0x71: {  	s3 =	rddreg [dreg:$0x12];
	[sflag:s19] =	ssyncadd.s32 $0xFFFFF000  }
0x72: {  	[spmem:s3] =	stream.linear.scatter [tilespmem:s20], [sflag:$0x2], $0x1000, $0x38;
	[tilespmem:$0x11980] =	vst v63  }
0x73: {  	_ =	swait.ge [sflag:s19], $0x1000  }
0x74: {  	[sflag:s19] =	ssyncset.done $0x0  }
0x75: {  	s11 =	rddreg [dreg:$0x13];
	[sflag:s19] =	ssyncadd.s32 $0xFFFFF000  }
0x76: {  	[spmem:s11] =	stream.linear.scatter [tilespmem:s18], [sflag:$0x2], $0x1000, $0x38;
	[tilespmem:$0x11980] =	vst v63  }
0x77: {  	_ =	swait.ge [sflag:s19], $0x1000  }
0x78: {  	[sflag:s19] =	ssyncset.done $0x0  }
0x79: {  	s3 =	rddreg [dreg:$0x14];
	[sflag:s19] =	ssyncadd.s32 $0xFFFFF000  }
0x7a: {  	[spmem:s3] =	stream.linear.scatter [tilespmem:s20], [sflag:$0x2], $0x1000, $0x38;
	[tilespmem:$0x11980] =	vst v63  }
0x7b: {  	_ =	swait.ge [sflag:s19], $0x1000  }
0x7c: {  	[sflag:s19] =	ssyncset.done $0x0  }
0x7d: {  	s11 =	rddreg [dreg:$0x15];
	[sflag:s19] =	ssyncadd.s32 $0xFFFFF000  }
0x7e: {  	[spmem:s11] =	stream.linear.scatter [tilespmem:s18], [sflag:$0x2], $0x1000, $0x38;
	[tilespmem:$0x11980] =	vst v63  }
0x7f: {  	_ =	swait.ge [sflag:s19], $0x1000  }
0x80: {  	[sflag:s19] =	ssyncset.done $0x0  }
0x81: {  	s3 =	rddreg [dreg:$0x16];
	[sflag:s19] =	ssyncadd.s32 $0xFFFFF000  }
0x82: {  	[spmem:s3] =	stream.linear.scatter [tilespmem:s20], [sflag:$0x2], $0x1000, $0x38;
	[tilespmem:$0x11980] =	vst v63  }
0x83: {  	_ =	swait.ge [sflag:s19], $0x1000  }
0x84: {  	[sflag:s19] =	ssyncset.done $0x0  }
0x85: {  	s11 =	rddreg [dreg:$0x17];
	[sflag:s19] =	ssyncadd.s32 $0xFFFFF000  }
0x86: {  	[spmem:s11] =	stream.linear.scatter [tilespmem:s18], [sflag:$0x2], $0x1000, $0x38;
	[tilespmem:$0x11980] =	vst v63  }
0x87: {  	_ =	swait.ge [sflag:s19], $0x1000  }
0x88: {  	[sflag:s19] =	ssyncset.done $0x0  }
0x89: {  	s3 =	rddreg [dreg:$0x18];
	[sflag:s19] =	ssyncadd.s32 $0xFFFFF000  }
0x8a: {  	[spmem:s3] =	stream.linear.scatter [tilespmem:s20], [sflag:$0x2], $0x1000, $0x38;
	[tilespmem:$0x11980] =	vst v63  }
0x8b: {  	_ =	swait.ge [sflag:s19], $0x1000  }
0x8c: {  	[sflag:s19] =	ssyncset.done $0x0  }
0x8d: {  	s11 =	rddreg [dreg:$0x19];
	[sflag:s19] =	ssyncadd.s32 $0xFFFFF000  }
0x8e: {  	[spmem:s11] =	stream.linear.scatter [tilespmem:s18], [sflag:$0x2], $0x1000, $0x38;
	[tilespmem:$0x11980] =	vst v63  }
0x8f: {  	_ =	swait.ge [sflag:s19], $0x1000  }
0x90: {  	[sflag:s19] =	ssyncset.done $0x0  }
0x91: {  	[sflag:s19] =	ssyncadd.s32 $0xFFFFF000  }
0x92: {  	[spmem:s12] =	stream.linear.scatter [tilespmem:s20], [sflag:$0x2], $0x1000, $0x38;
	[tilespmem:$0x11980] =	vst v63  }
0x93: {  	_ =	swait.ge [sflag:s19], $0x1000  }
0x94: {  	[sflag:s19] =	ssyncset.done $0x0  }
0x95: {  	[sflag:s19] =	ssyncadd.s32 $0xFFFFF000  }
0x96: {  	[tilespmem:$0x3180] =	vst v1  }
0x97: {  	[tilespmem:$0x3200] =	vst v1  }
0x98: {  	[tilespmem:$0x3280] =	vst v1  }
0x99: {  	[tilespmem:$0x3300] =	vst v1  }
0x9a: {  	[tilespmem:$0x3380] =	vst v1  }
0x9b: {  	[tilespmem:$0x3400] =	vst v1  }
0x9c: {  	[tilespmem:$0x3480] =	vst v1  }
0x9d: {  	[tilespmem:$0x3500] =	vst v1  }
0x9e: {  	[tilespmem:$0x3580] =	vst v1  }
0x9f: {  	[tilespmem:$0x3600] =	vst v1  }
0xa0: {  	[tilespmem:$0x3680] =	vst v1  }
0xa1: {  	[tilespmem:$0x3700] =	vst v1  }
0xa2: {  	[tilespmem:$0x3780] =	vst v1  }
0xa3: {  	[tilespmem:$0x3800] =	vst v1  }
0xa4: {  	[tilespmem:$0x3880] =	vst v1  }
0xa5: {  	[tilespmem:$0x3900] =	vst v1  }
0xa6: {  	[tilespmem:$0x3980] =	vst v1  }
0xa7: {  	[tilespmem:$0x3A00] =	vst v1  }
0xa8: {  	[tilespmem:$0x3A80] =	vst v1  }
0xa9: {  	[tilespmem:$0x3B00] =	vst v1  }
0xaa: {  	[tilespmem:$0x3B80] =	vst v1  }
0xab: {  	[tilespmem:$0x3C00] =	vst v1  }
0xac: {  	[tilespmem:$0x3C80] =	vst v1  }
0xad: {  	[tilespmem:$0x3D00] =	vst v1  }
0xae: {  	[tilespmem:$0x3D80] =	vst v1  }
0xaf: {  	[tilespmem:$0x3E00] =	vst v1  }
0xb0: {  	[tilespmem:$0x3E80] =	vst v1  }
0xb1: {  	[tilespmem:$0x3F00] =	vst v1  }
0xb2: {  	[tilespmem:$0x3F80] =	vst v1  }
0xb3: {  	[tilespmem:$0x4000] =	vst v1  }
0xb4: {  	[tilespmem:$0x4080] =	vst v1  }
0xb5: {  	[tilespmem:$0x4100] =	vst v1  }
0xb6: {  	s29 =	simm.s32 $0x0;
	[bflag:$0x0] =	sbarrier.arrive $0xFFFF  }
.LBB2_4:
0xb7: {  	s0 =	sshll.u32 s29, $0x5  }
0xb8: {  	s0 =	sadd.s32 s17, s0  }
0xb9: {  	s3 =	sshrl.u32 s0, $0x3  }
0xba: {  	s11 =	sadd.s32 s9, s3  }
0xbb: {  	[tilespmem:s28], [sflag:$0x2] =	stream.linear.gather [hbm4b:s11+s28], $0x20, $0x38;
	[tilespmem:$0x11980] =	vst v63  }
0xbc: {  	_ =	swait.ge [sflag:s19], $0x20  }
0xbd: {  	[sflag:s19] =	ssyncset.done $0x0  }
0xbe: {  	s3 =	sadd.s32 s10, s3;
	[sflag:s19] =	ssyncadd.s32 $0xFFFFFFE0  }
0xbf: {  	[tilespmem:s21], [sflag:$0x2] =	stream.linear.gather [hbm4b:s3+s28], $0x20, $0x38;
	[tilespmem:$0x11980] =	vst v63  }
0xc0: {  	s11 =	sadd.s32 s13, s0;
	_ =	swait.ge [sflag:s19], $0x20  }
0xc1: {  	s3 =	sshrl.u32 s11, $0x3;
	[sflag:s19] =	ssyncset.done $0x0  }
0xc2: {  	s3 =	sadd.s32 s1, s3;
	[sflag:s19] =	ssyncadd.s32 $0xFFFFFFE0  }
0xc3: {  	[tilespmem:s22], [sflag:$0x2] =	stream.linear.gather [hbm4b:s3+s28], $0x20, $0x38;
	[tilespmem:$0x11980] =	vst v63  }
0xc4: {  	_ =	swait.ge [sflag:s19], $0x20  }
0xc5: {  	[sflag:s19] =	ssyncset.done $0x0  }
0xc6: {  	[sflag:s19] =	ssyncadd.s32 $0xFFFFFFE0  }
0xc7: {  	[tilespmem:s18], [sflag:$0x1] =	stream.indirect.gather [hbm4b:s6+s23], $0x80, s28, s23, $0xb8;
	[tilespmem:$0x11980] =	vst v63  }
0xc8: {  	_ =	swait.ge [sflag:s24], $0x1000  }
0xc9: {  	[sflag:s24] =	ssyncset.done $0x0  }
0xca: {  	[sflag:s24] =	ssyncadd.s32 $0xFFFFF000  }
0xcb: {  	[tilespmem:s25], [sflag:$0x1] =	stream.indirect.gather [hbm4b:s7+s23], $0x80, s21, s23, $0xb8;
	[tilespmem:$0x11980] =	vst v63  }
0xcc: {  	_ =	swait.ge [sflag:s24], $0x1000  }
0xcd: {  	s0 =	sshll.u32 s0, $0x4;
	[sflag:s24] =	ssyncset.done $0x0  }
0xce: {  	s0 =	sadd.s32 s8, s0;
	[sflag:s24] =	ssyncadd.s32 $0xFFFFF000  }
0xcf: {  	[tilespmem:s26], [sflag:$0x2] =	stream.linear.gather [hbm4b:s0+s28], $0x1000, $0x38;
	[tilespmem:$0x11980] =	vst v63  }
0xd0: {  	_ =	swait.ge [sflag:s19], $0x1000  }
0xd1: {  	[sflag:s19] =	ssyncset.done $0x0  }
0xd2: {  	s0 =	simm.s32 $0x0;
	[sflag:s19] =	ssyncadd.s32 $0xFFFFF000  }
0xd3: {  	v14 =	vld [tilespmem:s0+$0x180]  }
0xd4: {  	v19 =	vld [tilespmem:s0+$0x1180]  }
0xd5: {  	v21 =	vld [tilespmem:s0+$0x190]  }
0xd6: {  	v22 =	vld [tilespmem:s0+$0x1190]  }
0xd7: {  	v7 =	vld [tilespmem:s0+$0x1A0]  }
0xd8: {  	v11 =	vld [tilespmem:s0+$0x11A0]  }
0xd9: {  	v9 =	vld [tilespmem:s0+$0x1B0]  }
0xda: {  	v13 =	vld [tilespmem:s0+$0x11B0]  }
0xdb: {  	v10 =	vld [tilespmem:s0+$0x1C0]  }
0xdc: {  	v12 =	vld [tilespmem:s0+$0x11C0]  }
0xdd: {  	v6 =	vld [tilespmem:s0+$0x1D0]  }
0xde: {  	v8 =	vld [tilespmem:s0+$0x11D0]  }
0xdf: {  	v4 =	vld [tilespmem:s0+$0x1E0]  }
0xe0: {  	v5 =	vld [tilespmem:s0+$0x11E0]  }
0xe1: {  	v2 =	vld [tilespmem:s0+$0x1F0]  }
0xe2: {  	v3 =	vld [tilespmem:s0+$0x11F0]  }
0xe3: {  	v18 =	vld [tilespmem:s0+$0x2180]  }
0xe4: {  	v17 =	vld [tilespmem:s0+$0x2190]  }
0xe5: {  	v16 =	vld [tilespmem:s0+$0x21A0]  }
0xe6: {  	v15 =	vld [tilespmem:s0+$0x21B0];
	v20 =	vadd.f32 v19, v14  }
0xe7: {  	s3 =	simm.s32 $0x200;
	v19 =	vadd.f32 v22, v21;
	v14 =	vld [tilespmem:s0+$0x21C0]  }
.LBB2_5:
0xe8: {  	p0 =	sne.s32 s3, $0x3E00;
	v18 =	vadd.f32 v18, v20;
	v7 =	vadd.f32 v11, v7;
	v11 =	vld [tilespmem:s0+$0x21D0]  }
0xe9: {  	v9 =	vadd.f32 v13, v9;
	v17 =	vadd.f32 v17, v19;
	v13 =	vld [tilespmem:s0+$0x21E0]  }
0xea: {  	s11 =	sshra.s32 s3, $0x2;
	v10 =	vadd.f32 v12, v10;
	v18 =	vmax.f32 v18, $0.0e+00;
	v7 =	vadd.f32 v16, v7;
	v12 =	vld [tilespmem:s0+$0x21F0]  }
0xeb: {  	v6 =	vadd.f32 v8, v6;
	v19 =	vld [tilespmem:s11+$0x180];
	[tilespmem:s0+$0x2180] =	vst v18;
	v16 =	vmax.f32 v17, $0.0e+00;
	v9 =	vadd.f32 v15, v9  }
0xec: {  	v4 =	vadd.f32 v5, v4;
	v15 =	vld [tilespmem:s11+$0x1180];
	[tilespmem:s0+$0x2190] =	vst v16;
	v7 =	vmax.f32 v7, $0.0e+00;
	v8 =	vadd.f32 v14, v10  }
0xed: {  	v2 =	vadd.f32 v3, v2;
	v14 =	vld [tilespmem:s11+$0x190];
	[tilespmem:s0+$0x21A0] =	vst v7;
	v5 =	vmax.f32 v9, $0.0e+00;
	v6 =	vadd.f32 v11, v6  }
0xee: {  	v21 =	vld [tilespmem:s11+$0x1190];
	[tilespmem:s0+$0x21B0] =	vst v5;
	v3 =	vmax.f32 v8, $0.0e+00;
	v4 =	vadd.f32 v13, v4  }
0xef: {  	v7 =	vld [tilespmem:s11+$0x1A0];
	[tilespmem:s0+$0x21C0] =	vst v3;
	v3 =	vmax.f32 v6, $0.0e+00;
	v2 =	vadd.f32 v12, v2  }
0xf0: {  	v11 =	vld [tilespmem:s11+$0x11A0];
	[tilespmem:s0+$0x21D0] =	vst v3;
	v3 =	vmax.f32 v4, $0.0e+00  }
0xf1: {  	v9 =	vld [tilespmem:s11+$0x1B0];
	[tilespmem:s0+$0x21E0] =	vst v3;
	v2 =	vmax.f32 v2, $0.0e+00  }
0xf2: {  	v13 =	vld [tilespmem:s11+$0x11B0];
	[tilespmem:s0+$0x21F0] =	vst v2;
	s0 =	smov.u32 s11  }
0xf3: {  	v10 =	vld [tilespmem:s0+$0x1C0]  }
0xf4: {  	v12 =	vld [tilespmem:s0+$0x11C0]  }
0xf5: {  	v6 =	vld [tilespmem:s0+$0x1D0]  }
0xf6: {  	v8 =	vld [tilespmem:s0+$0x11D0]  }
0xf7: {  	v4 =	vld [tilespmem:s0+$0x1E0]  }
0xf8: {  	v5 =	vld [tilespmem:s0+$0x11E0]  }
0xf9: {  	v2 =	vld [tilespmem:s0+$0x1F0]  }
0xfa: {  	v3 =	vld [tilespmem:s0+$0x11F0]  }
.Ltmp1:
0xfb: {  	v18 =	vld [tilespmem:s0+$0x2180];
	(pc) =	sbr.rel @p0 .LBB2_5-.Ltmp1, $4  }
0xfc: {  	v17 =	vld [tilespmem:s0+$0x2190]  }
0xfd: {  	v16 =	vld [tilespmem:s0+$0x21A0]  }
0xfe: {  	v20 =	vadd.f32 v15, v19;
	v15 =	vld [tilespmem:s0+$0x21B0]  }
0xff: {  	s3 =	sadd.s32 $0x200, s3;
	v19 =	vadd.f32 v21, v14;
	v14 =	vld [tilespmem:s0+$0x21C0]  }
0x100: {  	v18 =	vadd.f32 v18, v20;
	v7 =	vadd.f32 v11, v7;
	v58 =	vld [tilespmem:s0+$0x21D0]  }
0x101: {  	v9 =	vadd.f32 v13, v9;
	v60 =	vld [tilespmem:s0+$0x21F0];
	v17 =	vadd.f32 v17, v19  }
0x102: {  	v59 =	vld [tilespmem:s0+$0x21E0];
	v10 =	vadd.f32 v12, v10;
	v18 =	vmax.f32 v18, $0.0e+00;
	v7 =	vadd.f32 v16, v7  }
0x103: {  	v6 =	vadd.f32 v8, v6;
	[tilespmem:s0+$0x2180] =	vst v18;
	v61 =	vmax.f32 v17, $0.0e+00;
	v9 =	vadd.f32 v15, v9  }
0x104: {  	v2 =	vadd.f32 v3, v2;
	[tilespmem:s0+$0x2190] =	vst v61;
	v7 =	vmax.f32 v7, $0.0e+00;
	v62 =	vadd.f32 v14, v10  }
0x105: {  	v4 =	vadd.f32 v5, v4;
	[tilespmem:s0+$0x21A0] =	vst v7;
	v63 =	vmax.f32 v9, $0.0e+00;
	v6 =	vadd.f32 v58, v6  }
0x106: {  	v2 =	vadd.f32 v60, v2;
	[tilespmem:s0+$0x21B0] =	vst v63;
	v3 =	vmax.f32 v62, $0.0e+00  }
0x107: {  	v4 =	vadd.f32 v59, v4;
	[tilespmem:s0+$0x21C0] =	vst v3;
	v3 =	vmax.f32 v6, $0.0e+00  }
0x108: {  	v2 =	vmax.f32 v2, $0.0e+00;
	[tilespmem:s0+$0x21D0] =	vst v3  }
0x109: {  	v3 =	vmax.f32 v4, $0.0e+00;
	[tilespmem:s0+$0x21F0] =	vst v2  }
0x10a: {  	[tilespmem:s0+$0x21E0] =	vst v3  }
0x10b: {  	[spmem:s2] =	stream.indirect.scatter.add.f32 [tilespmem:s26], [sflag:$0x2], $0x80, s22, s23, $0xb8;
	[tilespmem:$0x11980] =	vst v63  }
0x10c: {  	s29 =	sadd.s32 $0x1, s29;
	_ =	swait.ge [sflag:s19], $0x1000  }
0x10d: {  	p0 =	sne.s32 s29, $0x280;
	[sflag:s19] =	ssyncset.done $0x0  }
.Ltmp2:
0x10e: {  	[sflag:s19] =	ssyncadd.s32 $0xFFFFF000;
	(pc) =	sbr.rel @p0 .LBB2_4-.Ltmp2, $4  }
0x10f: {  	[spmem:s4] =	stream.indirect.scatter.add.f32 [tilespmem:s20], [sflag:$0x2], $0x10, s22, s23, $0xb8;
	[tilespmem:$0x11980] =	vst v63  }
0x110: {  	_ =	swait.ge [sflag:s19], $0x200  }
0x111: {  	[sflag:s19] =	ssyncset.done $0x0  }
0x112: {  	[sflag:s19] =	ssyncadd.s32 $0xFFFFFE00  }
0x113: {  	s0 =	stileid.u32  }
0x114: {  	s0 =	sshll.u32 s0, $0x6  }
0x115: {  	[bflag:$0x0] =	sbarrier.arrive $0xFFFF;
	s3 =	sshrl.u32 s30, $0x3;
	s0 =	sor.u32 $0x1C02, s0  }
0x116: {  	[hbm:s14], [sflag:s0] =	dma.local [spmem:s3], $0x1800  }
0x117: {  	s5 =	sadd.s32 $0x1, s5;
	_ =	swait.ge [sflag:s19], $0x1800  }
0x118: {  	p0 =	sne.s32 s5, s16;
	[sflag:s19] =	ssyncset.done $0x0  }
.Ltmp3:
0x119: {  	s29 =	sshrl.u32 s31, $0x3;
	[sflag:s19] =	ssyncadd.s32 $0xFFFFE800;
	(pc) =	sbr.rel @p0 .LBB2_1-.Ltmp3, $4  }
0x11a: {  	[hbm:s15], [sflag:s0] =	dma.local [spmem:s29], $0x1800  }
0x11b: {  	_ =	swait.ge [sflag:s19], $0x1800  }
0x11c: {  	[sflag:s19] =	ssyncset.done $0x0  }
0x11d: {  	[sflag:s19] =	ssyncadd.s32 $0xFFFFE800  }
0x11e: {  	_ =	sfence.sel $0x180000  }
0x11f: {  	[bflag:$0x0] =	sbarrier.arrive $0xFFFF  }
0x120: {  	_ =	strace $0x90000047  }
0x121: {  	s0 =	stileid.u32;
	[bflag:$0x2] =	sbarrier.arrive $0xFFFF  }
0x122: {  	p0 =	sne.s32 s0, $0x0;
	s0 =	rddreg [dreg:$0x4]  }
0x123: {  	s0 =	sadd.s32 @!p0 $0x100000, s0  }
0x124: {  	[sflag:s0] =	ssyncadd.tile.s32 @!p0 $0x1;
	_ =	shalt  }
.Lfunc_end2:
_tile_overlayer_lowered:
.L_overlay_start_2:
0x125: {  	(tag) =	ssettag $0x2  }
0x126: {  	s0 =	rddreg [dreg:$0x0];
	s2 =	stileid.u32  }
0x127: {  	s1 =	rddreg [dreg:$0x1];
	p0 =	sne.s32 s2, $0x0  }
0x128: {  	s3 =	rddreg [dreg:$0x2];
	[bflag:$0x3] =	sbarrier.arrive $0xFFFF;
	s2 =	simm.s32 @!p0 $0x1C02  }
0x129: {  	[timem:s3], [sflag:s2] =	dma.local @!p0 [hbm:s0], s1  }
0x12a: {  	s0 =	simm.s32 @!p0 $0x2  }
0x12b: {  	_ =	swait.ge @!p0 [sflag:s0], s1  }
0x12c: {  	s1 =	ssub.s32 @!p0 $0x0, s1;
	[sflag:s0] =	ssyncset.done @!p0 $0x0  }
0x12d: {  	[sflag:s0] =	ssyncadd.s32 @!p0 s1  }
0x12e: {  	[bflag:$0x3] =	sbarrier.arrive $0xFFFF  }
0x12f: {  	_ =	shalt  }

</sc_bundles>
